<compile_context>
chip_gen: v7x
topology: tpu7x:2x2x1
jax: 0.10.2.dev20260603
libtpu: 0.0.44.dev20260713+nightly
codegen_flags: <defaults>
</compile_context>

<pallas_src>
import jax
import jax.numpy as jnp
import numpy as np
from jax import lax
from jax.experimental import pallas as pl
from jax.experimental.pallas import tpu as pltpu
from jax.experimental.pallas import tpu_sc as plsc

NUM_KNOTS = 1024
XMIN = -1.0
XMAX = 1.0
N = 33554432

_INFO = plsc.get_sparse_core_info()
NC = _INFO.num_cores
NS = _INFO.num_subcores
NW = NC * NS
L = _INFO.num_lanes

DX = (XMAX - XMIN) / (NUM_KNOTS - 1)
INV_DX = 1.0 / DX
U_MAX = float(np.nextafter(np.float32(NUM_KNOTS - 1), np.float32(0.0)))

CHUNK = 16384
PER_W = N // NW
N_CHUNKS = PER_W // CHUNK


def _spline_body(x_hbm, coeffs_hbm, out_hbm,
                 coeffs_v, atab, btab,
                 xb0, xb1, ob0, ob1,
                 is0, is1, os0, os1):
    wid = lax.axis_index("s") * NC + lax.axis_index("c")
    base = wid * PER_W

    def cp_in(g, xbuf, sem):
        return pltpu.make_async_copy(
            x_hbm.at[pl.ds(base + g * CHUNK, CHUNK)], xbuf, sem)

    def cp_out(g, obuf, sem):
        return pltpu.make_async_copy(
            obuf, out_hbm.at[pl.ds(base + g * CHUNK, CHUNK)], sem)

    cp_in(0, xb0, is0).start()
    cp_in(1, xb1, is1).start()
    pltpu.sync_copy(coeffs_hbm, coeffs_v)

    iota = lax.iota(jnp.int32, L)

    @plsc.parallel_loop(0, NUM_KNOTS // L, 1, unroll=4)
    def dt_body(i):
        iv = i * L + iota
        lo = coeffs_v[pl.ds(i * L, L)]
        hi = plsc.load_gather(
            coeffs_v, [jnp.minimum(iv + 1, NUM_KNOTS - 1)])
        d = hi - lo
        btab[pl.ds(i * L, L)] = d
        atab[pl.ds(i * L, L)] = lo - iv.astype(jnp.float32) * d

    def compute(xbuf, obuf):
        @plsc.parallel_loop(0, CHUNK // L, 1, unroll=8)
        def vec_body(i):
            xv = xbuf[pl.ds(i * L, L)]
            u = xv * INV_DX + INV_DX
            u = jnp.minimum(jnp.maximum(u, 0.0), U_MAX)
            idx = u.astype(jnp.int32)
            a = plsc.load_gather(atab, [idx])
            b = plsc.load_gather(btab, [idx])
            obuf[pl.ds(i * L, L)] = a + u * b

    bufs = ((xb0, ob0, is0, os0), (xb1, ob1, is1, os1))

    for b in (0, 1):
        xbuf, obuf, isem, osem = bufs[b]
        cp_in(b, xbuf, isem).wait()
        compute(xbuf, obuf)
        cp_out(b, obuf, osem).start()
        cp_in(b + 2, xbuf, isem).start()

    def pair_body(g2, _):
        for b in (0, 1):
            g = g2 * 2 + b
            xbuf, obuf, isem, osem = bufs[b]
            cp_in(g, xbuf, isem).wait()
            cp_out(g - 2, obuf, osem).wait()
            compute(xbuf, obuf)
            cp_out(g, obuf, osem).start()
            cp_in(g + 2, xbuf, isem).start()
        return ()

    lax.fori_loop(1, N_CHUNKS // 2 - 1, pair_body, ())

    for b in (0, 1):
        g = N_CHUNKS - 2 + b
        xbuf, obuf, isem, osem = bufs[b]
        cp_in(g, xbuf, isem).wait()
        cp_out(g - 2, obuf, osem).wait()
        compute(xbuf, obuf)
        cp_out(g, obuf, osem).start()
    for b in (0, 1):
        xbuf, obuf, isem, osem = bufs[b]
        cp_out(N_CHUNKS - 2 + b, obuf, osem).wait()


def kernel(x, knots, coeffs):
    del knots
    mesh = plsc.VectorSubcoreMesh(core_axis_name="c", subcore_axis_name="s")
    run = pl.kernel(
        _spline_body,
        out_type=jax.ShapeDtypeStruct((N,), jnp.float32),
        mesh=mesh,
        scratch_types=[
            pltpu.VMEM((NUM_KNOTS,), jnp.float32),
            pltpu.VMEM((NUM_KNOTS,), jnp.float32),
            pltpu.VMEM((NUM_KNOTS,), jnp.float32),
            pltpu.VMEM((CHUNK,), jnp.float32),
            pltpu.VMEM((CHUNK,), jnp.float32),
            pltpu.VMEM((CHUNK,), jnp.float32),
            pltpu.VMEM((CHUNK,), jnp.float32),
            pltpu.SemaphoreType.DMA,
            pltpu.SemaphoreType.DMA,
            pltpu.SemaphoreType.DMA,
            pltpu.SemaphoreType.DMA,
        ],
        compiler_params=pltpu.CompilerParams(needs_layout_passes=False),
    )
    return run(x, coeffs)

# --- scband reference (transcript-rebuilt; emitter-appended) ---
"""Pipeline reference for scband-spline1-d-86638080295695 (READ-ONLY COPY).

The authoritative reference and input builder live on the scoring server;
editing this copy changes nothing except your own understanding.
"""

import jax, jax.numpy as jnp
import numpy as np

NUM_KNOTS = 1024
XMIN = -1.0
XMAX = 1.0
N = 33554432


def setup_inputs(seed: int = 0) -> dict:
    key = jax.random.key(seed)
    k1, k2 = jax.random.split(key)
    x = jax.random.normal(k1, (N,), dtype=jnp.float32)
    knots = jnp.linspace(XMIN, XMAX, NUM_KNOTS, dtype=jnp.float32)
    coeffs = jax.random.normal(k2, (NUM_KNOTS,), dtype=jnp.float32) * 0.1
    return {"x": x, "knots": knots, "coeffs": coeffs}


def reference(x, knots, coeffs):
    # torch.clamp(x, xmin, xmax)
    xc = jnp.clip(x, XMIN, XMAX)
    # torch.searchsorted(knots, x) - 1  (side='left' matches torch right=False)
    idx = jnp.searchsorted(knots, xc, side='left') - 1
    idx = jnp.clip(idx, 0, knots.shape[0] - 2)
    # gathers into knot / coeff tables
    x0 = jnp.take(knots, idx, axis=0)
    x1 = jnp.take(knots, idx + 1, axis=0)
    y0 = jnp.take(coeffs, idx, axis=0)
    y1 = jnp.take(coeffs, idx + 1, axis=0)
    t = (xc - x0) / (x1 - x0 + 1e-08)
    return y0 + t * (y1 - y0)

if __name__ == "__main__":
    import jax
    _d = setup_inputs()
    print(jax.jit(kernel)(*tuple(_d.values())))

</pallas_src>

<mosaic_0001>
#map = affine_map<(d0, d1) -> (0)>
module attributes {stable_mosaic.version = 14 : i64} {
  func.func @_spline_body(%arg0: i32, %arg1: i32, %arg2: memref<33554432xf32, #tpu.memory_space<hbm>>, %arg3: memref<1024xf32, #tpu.memory_space<hbm>>, %arg4: memref<33554432xf32, #tpu.memory_space<hbm>>, %arg5: memref<1024xf32, #tpu.memory_space<vmem>>, %arg6: memref<1024xf32, #tpu.memory_space<vmem>>, %arg7: memref<1024xf32, #tpu.memory_space<vmem>>, %arg8: memref<16384xf32, #tpu.memory_space<vmem>>, %arg9: memref<16384xf32, #tpu.memory_space<vmem>>, %arg10: memref<16384xf32, #tpu.memory_space<vmem>>, %arg11: memref<16384xf32, #tpu.memory_space<vmem>>, %arg12: memref<!tpu.dma_semaphore, #tpu.memory_space<semaphore_mem>>, %arg13: memref<!tpu.dma_semaphore, #tpu.memory_space<semaphore_mem>>, %arg14: memref<!tpu.dma_semaphore, #tpu.memory_space<semaphore_mem>>, %arg15: memref<!tpu.dma_semaphore, #tpu.memory_space<semaphore_mem>>) attributes {dimension_semantics = [#tpu.dimension_semantics<core_parallel>, #tpu.dimension_semantics<subcore_parallel>], iteration_bounds = array<i64: 2, 16>, scalar_prefetch = 0 : i64, scratch_operands = 11 : i64, tpu.core_type = #tpu.core_type<sc_vector_subcore>, window_params = [{transform_indices = #map}, {transform_indices = #map}, {transform_indices = #map}]} {
    %mul3A = arith.constant 2 : i32
    %mul3A_0 = arith.muli %arg1, %mul3A : i32
    %add3A = arith.addi %mul3A_0, %arg0 : i32
    %mul3A_1 = arith.constant 1048576 : i32
    %mul3A_2 = arith.muli %add3A, %mul3A_1 : i32
    %add3A_3 = arith.constant 0 : i32
    %add3A_4 = arith.addi %mul3A_2, %add3A_3 : i32
    %dma_start3A = tpu.memref_slice %arg2[%add3A_4] : memref<33554432xf32, #tpu.memory_space<hbm>> -> memref<16384xf32, #tpu.memory_space<hbm>>
    %dma_start3A_5 = tpu.memref_slice %arg2[%add3A_4] : memref<33554432xf32, #tpu.memory_space<hbm>> -> memref<16384xf32, #tpu.memory_space<hbm>>
    tpu.enqueue_dma source(%dma_start3A_5 : memref<16384xf32, #tpu.memory_space<hbm>>) target(%arg8 : memref<16384xf32, #tpu.memory_space<vmem>>) target_semaphore(%arg12 : memref<!tpu.dma_semaphore, #tpu.memory_space<semaphore_mem>>)
    %add3A_6 = arith.constant 16384 : i32
    %add3A_7 = arith.addi %mul3A_2, %add3A_6 : i32
    %dma_start3A_8 = tpu.memref_slice %arg2[%add3A_7] : memref<33554432xf32, #tpu.memory_space<hbm>> -> memref<16384xf32, #tpu.memory_space<hbm>>
    %dma_start3A_9 = tpu.memref_slice %arg2[%add3A_7] : memref<33554432xf32, #tpu.memory_space<hbm>> -> memref<16384xf32, #tpu.memory_space<hbm>>
    tpu.enqueue_dma source(%dma_start3A_9 : memref<16384xf32, #tpu.memory_space<hbm>>) target(%arg9 : memref<16384xf32, #tpu.memory_space<vmem>>) target_semaphore(%arg13 : memref<!tpu.dma_semaphore, #tpu.memory_space<semaphore_mem>>)
    "tpu.region"() ({
      %run_scoped3A = tpu.sem_alloc : memref<!tpu.dma_semaphore, #tpu.memory_space<semaphore_mem>>
      tpu.enqueue_dma source(%arg3 : memref<1024xf32, #tpu.memory_space<hbm>>) target(%arg5 : memref<1024xf32, #tpu.memory_space<vmem>>) target_semaphore(%run_scoped3A : memref<!tpu.dma_semaphore, #tpu.memory_space<semaphore_mem>>)
      tpu.wait_dma2 semaphore(%run_scoped3A : memref<!tpu.dma_semaphore, #tpu.memory_space<semaphore_mem>>) src(%arg3 : memref<1024xf32, #tpu.memory_space<hbm>>) dst(%arg5 : memref<1024xf32, #tpu.memory_space<vmem>>)
      tpu.yield
    }) : () -> ()
    %iota3A = tpu.iota {dimensions = array<i32: 0>} : vector<16xi32>
    %parallel_loop3A = arith.constant 0 : i32
    %parallel_loop3A_10 = arith.constant 64 : i32
    %parallel_loop3A_11 = arith.constant 1 : i32
    scf.for %parallel_loop3A_83 = %parallel_loop3A to %parallel_loop3A_10 step %parallel_loop3A_11  : i32 {
      %parallel_loop3A_84 = arith.constant 16 : i32
      %parallel_loop3A_85 = arith.muli %parallel_loop3A_83, %parallel_loop3A_84 : i32
      %parallel_loop3A_86 = vector.broadcast %parallel_loop3A_85 : i32 to vector<16xi32>
      %parallel_loop3A_87 = arith.addi %parallel_loop3A_86, %iota3A : vector<16xi32>
      %parallel_loop3A_88 = arith.constant 16 : i32
      %parallel_loop3A_89 = arith.muli %parallel_loop3A_83, %parallel_loop3A_88 : i32
      %parallel_loop3A_90 = arith.index_cast %parallel_loop3A_89 : i32 to index
      %parallel_loop3A_91 = tpu.vector_load %arg5[%parallel_loop3A_90] {strides = array<i32>} : memref<1024xf32, #tpu.memory_space<vmem>>, vector<16xf32>,
      %parallel_loop3A_92 = arith.constant 1 : i32
      %parallel_loop3A_93 = vector.broadcast %parallel_loop3A_92 : i32 to vector<16xi32>
      %parallel_loop3A_94 = arith.addi %parallel_loop3A_87, %parallel_loop3A_93 : vector<16xi32>
      %parallel_loop3A_95 = arith.constant 1023 : i32
      %parallel_loop3A_96 = vector.broadcast %parallel_loop3A_95 : i32 to vector<16xi32>
      %parallel_loop3A_97 = arith.minsi %parallel_loop3A_94, %parallel_loop3A_96 : vector<16xi32>
      %parallel_loop3A_98 = tpu.vector_load_idx %arg5[%parallel_loop3A_97] : memref<1024xf32, #tpu.memory_space<vmem>>[vector<16xi32>], vector<16xf32>,
      %parallel_loop3A_99 = arith.subf %parallel_loop3A_98, %parallel_loop3A_91 : vector<16xf32>
      %parallel_loop3A_100 = arith.constant 16 : i32
      %parallel_loop3A_101 = arith.muli %parallel_loop3A_83, %parallel_loop3A_100 : i32
      %parallel_loop3A_102 = arith.index_cast %parallel_loop3A_101 : i32 to index
      %parallel_loop3A_103 = tpu.vector_load %arg7[%parallel_loop3A_102] {strides = array<i32>} : memref<1024xf32, #tpu.memory_space<vmem>>, vector<16xf32>,
      tpu.vector_store %arg7[%parallel_loop3A_102], %parallel_loop3A_99 {strides = array<i32>} : memref<1024xf32, #tpu.memory_space<vmem>>, vector<16xf32>,
      %parallel_loop3A_104 = arith.sitofp %parallel_loop3A_87 : vector<16xi32> to vector<16xf32>
      %parallel_loop3A_105 = arith.mulf %parallel_loop3A_104, %parallel_loop3A_99 : vector<16xf32>
      %parallel_loop3A_106 = arith.subf %parallel_loop3A_91, %parallel_loop3A_105 : vector<16xf32>
      %parallel_loop3A_107 = arith.constant 16 : i32
      %parallel_loop3A_108 = arith.muli %parallel_loop3A_83, %parallel_loop3A_107 : i32
      %parallel_loop3A_109 = arith.index_cast %parallel_loop3A_108 : i32 to index
      %parallel_loop3A_110 = tpu.vector_load %arg6[%parallel_loop3A_109] {strides = array<i32>} : memref<1024xf32, #tpu.memory_space<vmem>>, vector<16xf32>,
      tpu.vector_store %arg6[%parallel_loop3A_109], %parallel_loop3A_106 {strides = array<i32>} : memref<1024xf32, #tpu.memory_space<vmem>>, vector<16xf32>,
    } {sc.loop_unroll_factor = 4 : i64, sc.parallel_access}
    %add3A_12 = arith.constant 0 : i32
    %add3A_13 = arith.addi %mul3A_2, %add3A_12 : i32
    %dma_wait3A = tpu.memref_slice %arg2[%add3A_13] : memref<33554432xf32, #tpu.memory_space<hbm>> -> memref<16384xf32, #tpu.memory_space<hbm>>
    %dma_wait3A_14 = tpu.memref_slice %arg2[%add3A_13] : memref<33554432xf32, #tpu.memory_space<hbm>> -> memref<16384xf32, #tpu.memory_space<hbm>>
    tpu.wait_dma2 semaphore(%arg12 : memref<!tpu.dma_semaphore, #tpu.memory_space<semaphore_mem>>) src(%dma_wait3A_14 : memref<16384xf32, #tpu.memory_space<hbm>>) dst(%arg8 : memref<16384xf32, #tpu.memory_space<vmem>>)
    %parallel_loop3A_15 = arith.constant 0 : i32
    %parallel_loop3A_16 = arith.constant 1024 : i32
    %parallel_loop3A_17 = arith.constant 1 : i32
    scf.for %parallel_loop3A_83 = %parallel_loop3A_15 to %parallel_loop3A_16 step %parallel_loop3A_17  : i32 {
      %parallel_loop3A_84 = arith.constant 16 : i32
      %parallel_loop3A_85 = arith.muli %parallel_loop3A_83, %parallel_loop3A_84 : i32
      %parallel_loop3A_86 = arith.index_cast %parallel_loop3A_85 : i32 to index
      %parallel_loop3A_87 = tpu.vector_load %arg8[%parallel_loop3A_86] {strides = array<i32>} : memref<16384xf32, #tpu.memory_space<vmem>>, vector<16xf32>,
      %parallel_loop3A_88 = arith.constant 5.115000e+02 : f32
      %parallel_loop3A_89 = vector.broadcast %parallel_loop3A_88 : f32 to vector<16xf32>
      %parallel_loop3A_90 = arith.mulf %parallel_loop3A_87, %parallel_loop3A_89 : vector<16xf32>
      %parallel_loop3A_91 = arith.constant 5.115000e+02 : f32
      %parallel_loop3A_92 = vector.broadcast %parallel_loop3A_91 : f32 to vector<16xf32>
      %parallel_loop3A_93 = arith.addf %parallel_loop3A_90, %parallel_loop3A_92 : vector<16xf32>
      %parallel_loop3A_94 = arith.constant 0.000000e+00 : f32
      %parallel_loop3A_95 = vector.broadcast %parallel_loop3A_94 : f32 to vector<16xf32>
      %parallel_loop3A_96 = arith.maximumf %parallel_loop3A_93, %parallel_loop3A_95 : vector<16xf32>
      %parallel_loop3A_97 = arith.constant 1022.99994 : f32
      %parallel_loop3A_98 = vector.broadcast %parallel_loop3A_97 : f32 to vector<16xf32>
      %parallel_loop3A_99 = arith.minimumf %parallel_loop3A_96, %parallel_loop3A_98 : vector<16xf32>
      %parallel_loop3A_100 = arith.fptosi %parallel_loop3A_99 : vector<16xf32> to vector<16xi32>
      %parallel_loop3A_101 = tpu.vector_load_idx %arg6[%parallel_loop3A_100] : memref<1024xf32, #tpu.memory_space<vmem>>[vector<16xi32>], vector<16xf32>,
      %parallel_loop3A_102 = tpu.vector_load_idx %arg7[%parallel_loop3A_100] : memref<1024xf32, #tpu.memory_space<vmem>>[vector<16xi32>], vector<16xf32>,
      %parallel_loop3A_103 = arith.mulf %parallel_loop3A_99, %parallel_loop3A_102 : vector<16xf32>
      %parallel_loop3A_104 = arith.addf %parallel_loop3A_101, %parallel_loop3A_103 : vector<16xf32>
      %parallel_loop3A_105 = arith.constant 16 : i32
      %parallel_loop3A_106 = arith.muli %parallel_loop3A_83, %parallel_loop3A_105 : i32
      %parallel_loop3A_107 = arith.index_cast %parallel_loop3A_106 : i32 to index
      %parallel_loop3A_108 = tpu.vector_load %arg10[%parallel_loop3A_107] {strides = array<i32>} : memref<16384xf32, #tpu.memory_space<vmem>>, vector<16xf32>,
      tpu.vector_store %arg10[%parallel_loop3A_107], %parallel_loop3A_104 {strides = array<i32>} : memref<16384xf32, #tpu.memory_space<vmem>>, vector<16xf32>,
    } {sc.loop_unroll_factor = 8 : i64, sc.parallel_access}
    %add3A_18 = arith.constant 0 : i32
    %add3A_19 = arith.addi %mul3A_2, %add3A_18 : i32
    %dma_start3A_20 = tpu.memref_slice %arg4[%add3A_19] : memref<33554432xf32, #tpu.memory_space<hbm>> -> memref<16384xf32, #tpu.memory_space<hbm>>
    %dma_start3A_21 = tpu.memref_slice %arg4[%add3A_19] : memref<33554432xf32, #tpu.memory_space<hbm>> -> memref<16384xf32, #tpu.memory_space<hbm>>
    tpu.enqueue_dma source(%arg10 : memref<16384xf32, #tpu.memory_space<vmem>>) target(%dma_start3A_21 : memref<16384xf32, #tpu.memory_space<hbm>>) target_semaphore(%arg14 : memref<!tpu.dma_semaphore, #tpu.memory_space<semaphore_mem>>)
    %add3A_22 = arith.constant 32768 : i32
    %add3A_23 = arith.addi %mul3A_2, %add3A_22 : i32
    %dma_start3A_24 = tpu.memref_slice %arg2[%add3A_23] : memref<33554432xf32, #tpu.memory_space<hbm>> -> memref<16384xf32, #tpu.memory_space<hbm>>
    %dma_start3A_25 = tpu.memref_slice %arg2[%add3A_23] : memref<33554432xf32, #tpu.memory_space<hbm>> -> memref<16384xf32, #tpu.memory_space<hbm>>
    tpu.enqueue_dma source(%dma_start3A_25 : memref<16384xf32, #tpu.memory_space<hbm>>) target(%arg8 : memref<16384xf32, #tpu.memory_space<vmem>>) target_semaphore(%arg12 : memref<!tpu.dma_semaphore, #tpu.memory_space<semaphore_mem>>)
    %add3A_26 = arith.constant 16384 : i32
    %add3A_27 = arith.addi %mul3A_2, %add3A_26 : i32
    %dma_wait3A_28 = tpu.memref_slice %arg2[%add3A_27] : memref<33554432xf32, #tpu.memory_space<hbm>> -> memref<16384xf32, #tpu.memory_space<hbm>>
    %dma_wait3A_29 = tpu.memref_slice %arg2[%add3A_27] : memref<33554432xf32, #tpu.memory_space<hbm>> -> memref<16384xf32, #tpu.memory_space<hbm>>
    tpu.wait_dma2 semaphore(%arg13 : memref<!tpu.dma_semaphore, #tpu.memory_space<semaphore_mem>>) src(%dma_wait3A_29 : memref<16384xf32, #tpu.memory_space<hbm>>) dst(%arg9 : memref<16384xf32, #tpu.memory_space<vmem>>)
    %parallel_loop3A_30 = arith.constant 0 : i32
    %parallel_loop3A_31 = arith.constant 1024 : i32
    %parallel_loop3A_32 = arith.constant 1 : i32
    scf.for %parallel_loop3A_83 = %parallel_loop3A_30 to %parallel_loop3A_31 step %parallel_loop3A_32  : i32 {
      %parallel_loop3A_84 = arith.constant 16 : i32
      %parallel_loop3A_85 = arith.muli %parallel_loop3A_83, %parallel_loop3A_84 : i32
      %parallel_loop3A_86 = arith.index_cast %parallel_loop3A_85 : i32 to index
      %parallel_loop3A_87 = tpu.vector_load %arg9[%parallel_loop3A_86] {strides = array<i32>} : memref<16384xf32, #tpu.memory_space<vmem>>, vector<16xf32>,
      %parallel_loop3A_88 = arith.constant 5.115000e+02 : f32
      %parallel_loop3A_89 = vector.broadcast %parallel_loop3A_88 : f32 to vector<16xf32>
      %parallel_loop3A_90 = arith.mulf %parallel_loop3A_87, %parallel_loop3A_89 : vector<16xf32>
      %parallel_loop3A_91 = arith.constant 5.115000e+02 : f32
      %parallel_loop3A_92 = vector.broadcast %parallel_loop3A_91 : f32 to vector<16xf32>
      %parallel_loop3A_93 = arith.addf %parallel_loop3A_90, %parallel_loop3A_92 : vector<16xf32>
      %parallel_loop3A_94 = arith.constant 0.000000e+00 : f32
      %parallel_loop3A_95 = vector.broadcast %parallel_loop3A_94 : f32 to vector<16xf32>
      %parallel_loop3A_96 = arith.maximumf %parallel_loop3A_93, %parallel_loop3A_95 : vector<16xf32>
      %parallel_loop3A_97 = arith.constant 1022.99994 : f32
      %parallel_loop3A_98 = vector.broadcast %parallel_loop3A_97 : f32 to vector<16xf32>
      %parallel_loop3A_99 = arith.minimumf %parallel_loop3A_96, %parallel_loop3A_98 : vector<16xf32>
      %parallel_loop3A_100 = arith.fptosi %parallel_loop3A_99 : vector<16xf32> to vector<16xi32>
      %parallel_loop3A_101 = tpu.vector_load_idx %arg6[%parallel_loop3A_100] : memref<1024xf32, #tpu.memory_space<vmem>>[vector<16xi32>], vector<16xf32>,
      %parallel_loop3A_102 = tpu.vector_load_idx %arg7[%parallel_loop3A_100] : memref<1024xf32, #tpu.memory_space<vmem>>[vector<16xi32>], vector<16xf32>,
      %parallel_loop3A_103 = arith.mulf %parallel_loop3A_99, %parallel_loop3A_102 : vector<16xf32>
      %parallel_loop3A_104 = arith.addf %parallel_loop3A_101, %parallel_loop3A_103 : vector<16xf32>
      %parallel_loop3A_105 = arith.constant 16 : i32
      %parallel_loop3A_106 = arith.muli %parallel_loop3A_83, %parallel_loop3A_105 : i32
      %parallel_loop3A_107 = arith.index_cast %parallel_loop3A_106 : i32 to index
      %parallel_loop3A_108 = tpu.vector_load %arg11[%parallel_loop3A_107] {strides = array<i32>} : memref<16384xf32, #tpu.memory_space<vmem>>, vector<16xf32>,
      tpu.vector_store %arg11[%parallel_loop3A_107], %parallel_loop3A_104 {strides = array<i32>} : memref<16384xf32, #tpu.memory_space<vmem>>, vector<16xf32>,
    } {sc.loop_unroll_factor = 8 : i64, sc.parallel_access}
    %add3A_33 = arith.constant 16384 : i32
    %add3A_34 = arith.addi %mul3A_2, %add3A_33 : i32
    %dma_start3A_35 = tpu.memref_slice %arg4[%add3A_34] : memref<33554432xf32, #tpu.memory_space<hbm>> -> memref<16384xf32, #tpu.memory_space<hbm>>
    %dma_start3A_36 = tpu.memref_slice %arg4[%add3A_34] : memref<33554432xf32, #tpu.memory_space<hbm>> -> memref<16384xf32, #tpu.memory_space<hbm>>
    tpu.enqueue_dma source(%arg11 : memref<16384xf32, #tpu.memory_space<vmem>>) target(%dma_start3A_36 : memref<16384xf32, #tpu.memory_space<hbm>>) target_semaphore(%arg15 : memref<!tpu.dma_semaphore, #tpu.memory_space<semaphore_mem>>)
    %add3A_37 = arith.constant 49152 : i32
    %add3A_38 = arith.addi %mul3A_2, %add3A_37 : i32
    %dma_start3A_39 = tpu.memref_slice %arg2[%add3A_38] : memref<33554432xf32, #tpu.memory_space<hbm>> -> memref<16384xf32, #tpu.memory_space<hbm>>
    %dma_start3A_40 = tpu.memref_slice %arg2[%add3A_38] : memref<33554432xf32, #tpu.memory_space<hbm>> -> memref<16384xf32, #tpu.memory_space<hbm>>
    tpu.enqueue_dma source(%dma_start3A_40 : memref<16384xf32, #tpu.memory_space<hbm>>) target(%arg9 : memref<16384xf32, #tpu.memory_space<vmem>>) target_semaphore(%arg13 : memref<!tpu.dma_semaphore, #tpu.memory_space<semaphore_mem>>)
    %scan3A = arith.constant 1 : i32
    %scan3A_41 = arith.constant 30 : i32
    %scan3A_42 = arith.addi %scan3A, %scan3A_41 : i32
    %scan3A_43 = arith.constant 1 : i32
    scf.for %scan3A_83 = %scan3A to %scan3A_42 step %scan3A_43  : i32 {
      %mul3A_84 = arith.constant 2 : i32
      %mul3A_85 = arith.muli %scan3A_83, %mul3A_84 : i32
      %add3A_86 = arith.constant 0 : i32
      %add3A_87 = arith.addi %mul3A_85, %add3A_86 : i32
      %mul3A_88 = arith.constant 16384 : i32
      %mul3A_89 = arith.muli %add3A_87, %mul3A_88 : i32
      %add3A_90 = arith.addi %mul3A_2, %mul3A_89 : i32
      %dma_wait3A_91 = tpu.memref_slice %arg2[%add3A_90] : memref<33554432xf32, #tpu.memory_space<hbm>> -> memref<16384xf32, #tpu.memory_space<hbm>>
      %dma_wait3A_92 = tpu.memref_slice %arg2[%add3A_90] : memref<33554432xf32, #tpu.memory_space<hbm>> -> memref<16384xf32, #tpu.memory_space<hbm>>
      tpu.wait_dma2 semaphore(%arg12 : memref<!tpu.dma_semaphore, #tpu.memory_space<semaphore_mem>>) src(%dma_wait3A_92 : memref<16384xf32, #tpu.memory_space<hbm>>) dst(%arg8 : memref<16384xf32, #tpu.memory_space<vmem>>)
      %sub3A = arith.constant 2 : i32
      %sub3A_93 = arith.subi %add3A_87, %sub3A : i32
      %mul3A_94 = arith.constant 16384 : i32
      %mul3A_95 = arith.muli %sub3A_93, %mul3A_94 : i32
      %add3A_96 = arith.addi %mul3A_2, %mul3A_95 : i32
      %dma_wait3A_97 = tpu.memref_slice %arg4[%add3A_96] : memref<33554432xf32, #tpu.memory_space<hbm>> -> memref<16384xf32, #tpu.memory_space<hbm>>
      %dma_wait3A_98 = tpu.memref_slice %arg4[%add3A_96] : memref<33554432xf32, #tpu.memory_space<hbm>> -> memref<16384xf32, #tpu.memory_space<hbm>>
      tpu.wait_dma2 semaphore(%arg14 : memref<!tpu.dma_semaphore, #tpu.memory_space<semaphore_mem>>) src(%arg10 : memref<16384xf32, #tpu.memory_space<vmem>>) dst(%dma_wait3A_98 : memref<16384xf32, #tpu.memory_space<hbm>>)
      %parallel_loop3A_99 = arith.constant 0 : i32
      %parallel_loop3A_100 = arith.constant 1024 : i32
      %parallel_loop3A_101 = arith.constant 1 : i32
      scf.for %parallel_loop3A_145 = %parallel_loop3A_99 to %parallel_loop3A_100 step %parallel_loop3A_101  : i32 {
        %parallel_loop3A_146 = arith.constant 16 : i32
        %parallel_loop3A_147 = arith.muli %parallel_loop3A_145, %parallel_loop3A_146 : i32
        %parallel_loop3A_148 = arith.index_cast %parallel_loop3A_147 : i32 to index
        %parallel_loop3A_149 = tpu.vector_load %arg8[%parallel_loop3A_148] {strides = array<i32>} : memref<16384xf32, #tpu.memory_space<vmem>>, vector<16xf32>,
        %parallel_loop3A_150 = arith.constant 5.115000e+02 : f32
        %parallel_loop3A_151 = vector.broadcast %parallel_loop3A_150 : f32 to vector<16xf32>
        %parallel_loop3A_152 = arith.mulf %parallel_loop3A_149, %parallel_loop3A_151 : vector<16xf32>
        %parallel_loop3A_153 = arith.constant 5.115000e+02 : f32
        %parallel_loop3A_154 = vector.broadcast %parallel_loop3A_153 : f32 to vector<16xf32>
        %parallel_loop3A_155 = arith.addf %parallel_loop3A_152, %parallel_loop3A_154 : vector<16xf32>
        %parallel_loop3A_156 = arith.constant 0.000000e+00 : f32
        %parallel_loop3A_157 = vector.broadcast %parallel_loop3A_156 : f32 to vector<16xf32>
        %parallel_loop3A_158 = arith.maximumf %parallel_loop3A_155, %parallel_loop3A_157 : vector<16xf32>
        %parallel_loop3A_159 = arith.constant 1022.99994 : f32
        %parallel_loop3A_160 = vector.broadcast %parallel_loop3A_159 : f32 to vector<16xf32>
        %parallel_loop3A_161 = arith.minimumf %parallel_loop3A_158, %parallel_loop3A_160 : vector<16xf32>
        %parallel_loop3A_162 = arith.fptosi %parallel_loop3A_161 : vector<16xf32> to vector<16xi32>
        %parallel_loop3A_163 = tpu.vector_load_idx %arg6[%parallel_loop3A_162] : memref<1024xf32, #tpu.memory_space<vmem>>[vector<16xi32>], vector<16xf32>,
        %parallel_loop3A_164 = tpu.vector_load_idx %arg7[%parallel_loop3A_162] : memref<1024xf32, #tpu.memory_space<vmem>>[vector<16xi32>], vector<16xf32>,
        %parallel_loop3A_165 = arith.mulf %parallel_loop3A_161, %parallel_loop3A_164 : vector<16xf32>
        %parallel_loop3A_166 = arith.addf %parallel_loop3A_163, %parallel_loop3A_165 : vector<16xf32>
        %parallel_loop3A_167 = arith.constant 16 : i32
        %parallel_loop3A_168 = arith.muli %parallel_loop3A_145, %parallel_loop3A_167 : i32
        %parallel_loop3A_169 = arith.index_cast %parallel_loop3A_168 : i32 to index
        %parallel_loop3A_170 = tpu.vector_load %arg10[%parallel_loop3A_169] {strides = array<i32>} : memref<16384xf32, #tpu.memory_space<vmem>>, vector<16xf32>,
        tpu.vector_store %arg10[%parallel_loop3A_169], %parallel_loop3A_166 {strides = array<i32>} : memref<16384xf32, #tpu.memory_space<vmem>>, vector<16xf32>,
      } {sc.loop_unroll_factor = 8 : i64, sc.parallel_access}
      %mul3A_102 = arith.constant 16384 : i32
      %mul3A_103 = arith.muli %add3A_87, %mul3A_102 : i32
      %add3A_104 = arith.addi %mul3A_2, %mul3A_103 : i32
      %dma_start3A_105 = tpu.memref_slice %arg4[%add3A_104] : memref<33554432xf32, #tpu.memory_space<hbm>> -> memref<16384xf32, #tpu.memory_space<hbm>>
      %dma_start3A_106 = tpu.memref_slice %arg4[%add3A_104] : memref<33554432xf32, #tpu.memory_space<hbm>> -> memref<16384xf32, #tpu.memory_space<hbm>>
      tpu.enqueue_dma source(%arg10 : memref<16384xf32, #tpu.memory_space<vmem>>) target(%dma_start3A_106 : memref<16384xf32, #tpu.memory_space<hbm>>) target_semaphore(%arg14 : memref<!tpu.dma_semaphore, #tpu.memory_space<semaphore_mem>>)
      %add3A_107 = arith.constant 2 : i32
      %add3A_108 = arith.addi %add3A_87, %add3A_107 : i32
      %mul3A_109 = arith.constant 16384 : i32
      %mul3A_110 = arith.muli %add3A_108, %mul3A_109 : i32
      %add3A_111 = arith.addi %mul3A_2, %mul3A_110 : i32
      %dma_start3A_112 = tpu.memref_slice %arg2[%add3A_111] : memref<33554432xf32, #tpu.memory_space<hbm>> -> memref<16384xf32, #tpu.memory_space<hbm>>
      %dma_start3A_113 = tpu.memref_slice %arg2[%add3A_111] : memref<33554432xf32, #tpu.memory_space<hbm>> -> memref<16384xf32, #tpu.memory_space<hbm>>
      tpu.enqueue_dma source(%dma_start3A_113 : memref<16384xf32, #tpu.memory_space<hbm>>) target(%arg8 : memref<16384xf32, #tpu.memory_space<vmem>>) target_semaphore(%arg12 : memref<!tpu.dma_semaphore, #tpu.memory_space<semaphore_mem>>)
      %mul3A_114 = arith.constant 2 : i32
      %mul3A_115 = arith.muli %scan3A_83, %mul3A_114 : i32
      %add3A_116 = arith.constant 1 : i32
      %add3A_117 = arith.addi %mul3A_115, %add3A_116 : i32
      %mul3A_118 = arith.constant 16384 : i32
      %mul3A_119 = arith.muli %add3A_117, %mul3A_118 : i32
      %add3A_120 = arith.addi %mul3A_2, %mul3A_119 : i32
      %dma_wait3A_121 = tpu.memref_slice %arg2[%add3A_120] : memref<33554432xf32, #tpu.memory_space<hbm>> -> memref<16384xf32, #tpu.memory_space<hbm>>
      %dma_wait3A_122 = tpu.memref_slice %arg2[%add3A_120] : memref<33554432xf32, #tpu.memory_space<hbm>> -> memref<16384xf32, #tpu.memory_space<hbm>>
      tpu.wait_dma2 semaphore(%arg13 : memref<!tpu.dma_semaphore, #tpu.memory_space<semaphore_mem>>) src(%dma_wait3A_122 : memref<16384xf32, #tpu.memory_space<hbm>>) dst(%arg9 : memref<16384xf32, #tpu.memory_space<vmem>>)
      %sub3A_123 = arith.constant 2 : i32
      %sub3A_124 = arith.subi %add3A_117, %sub3A_123 : i32
      %mul3A_125 = arith.constant 16384 : i32
      %mul3A_126 = arith.muli %sub3A_124, %mul3A_125 : i32
      %add3A_127 = arith.addi %mul3A_2, %mul3A_126 : i32
      %dma_wait3A_128 = tpu.memref_slice %arg4[%add3A_127] : memref<33554432xf32, #tpu.memory_space<hbm>> -> memref<16384xf32, #tpu.memory_space<hbm>>
      %dma_wait3A_129 = tpu.memref_slice %arg4[%add3A_127] : memref<33554432xf32, #tpu.memory_space<hbm>> -> memref<16384xf32, #tpu.memory_space<hbm>>
      tpu.wait_dma2 semaphore(%arg15 : memref<!tpu.dma_semaphore, #tpu.memory_space<semaphore_mem>>) src(%arg11 : memref<16384xf32, #tpu.memory_space<vmem>>) dst(%dma_wait3A_129 : memref<16384xf32, #tpu.memory_space<hbm>>)
      %parallel_loop3A_130 = arith.constant 0 : i32
      %parallel_loop3A_131 = arith.constant 1024 : i32
      %parallel_loop3A_132 = arith.constant 1 : i32
      scf.for %parallel_loop3A_145 = %parallel_loop3A_130 to %parallel_loop3A_131 step %parallel_loop3A_132  : i32 {
        %parallel_loop3A_146 = arith.constant 16 : i32
        %parallel_loop3A_147 = arith.muli %parallel_loop3A_145, %parallel_loop3A_146 : i32
        %parallel_loop3A_148 = arith.index_cast %parallel_loop3A_147 : i32 to index
        %parallel_loop3A_149 = tpu.vector_load %arg9[%parallel_loop3A_148] {strides = array<i32>} : memref<16384xf32, #tpu.memory_space<vmem>>, vector<16xf32>,
        %parallel_loop3A_150 = arith.constant 5.115000e+02 : f32
        %parallel_loop3A_151 = vector.broadcast %parallel_loop3A_150 : f32 to vector<16xf32>
        %parallel_loop3A_152 = arith.mulf %parallel_loop3A_149, %parallel_loop3A_151 : vector<16xf32>
        %parallel_loop3A_153 = arith.constant 5.115000e+02 : f32
        %parallel_loop3A_154 = vector.broadcast %parallel_loop3A_153 : f32 to vector<16xf32>
        %parallel_loop3A_155 = arith.addf %parallel_loop3A_152, %parallel_loop3A_154 : vector<16xf32>
        %parallel_loop3A_156 = arith.constant 0.000000e+00 : f32
        %parallel_loop3A_157 = vector.broadcast %parallel_loop3A_156 : f32 to vector<16xf32>
        %parallel_loop3A_158 = arith.maximumf %parallel_loop3A_155, %parallel_loop3A_157 : vector<16xf32>
        %parallel_loop3A_159 = arith.constant 1022.99994 : f32
        %parallel_loop3A_160 = vector.broadcast %parallel_loop3A_159 : f32 to vector<16xf32>
        %parallel_loop3A_161 = arith.minimumf %parallel_loop3A_158, %parallel_loop3A_160 : vector<16xf32>
        %parallel_loop3A_162 = arith.fptosi %parallel_loop3A_161 : vector<16xf32> to vector<16xi32>
        %parallel_loop3A_163 = tpu.vector_load_idx %arg6[%parallel_loop3A_162] : memref<1024xf32, #tpu.memory_space<vmem>>[vector<16xi32>], vector<16xf32>,
        %parallel_loop3A_164 = tpu.vector_load_idx %arg7[%parallel_loop3A_162] : memref<1024xf32, #tpu.memory_space<vmem>>[vector<16xi32>], vector<16xf32>,
        %parallel_loop3A_165 = arith.mulf %parallel_loop3A_161, %parallel_loop3A_164 : vector<16xf32>
        %parallel_loop3A_166 = arith.addf %parallel_loop3A_163, %parallel_loop3A_165 : vector<16xf32>
        %parallel_loop3A_167 = arith.constant 16 : i32
        %parallel_loop3A_168 = arith.muli %parallel_loop3A_145, %parallel_loop3A_167 : i32
        %parallel_loop3A_169 = arith.index_cast %parallel_loop3A_168 : i32 to index
        %parallel_loop3A_170 = tpu.vector_load %arg11[%parallel_loop3A_169] {strides = array<i32>} : memref<16384xf32, #tpu.memory_space<vmem>>, vector<16xf32>,
        tpu.vector_store %arg11[%parallel_loop3A_169], %parallel_loop3A_166 {strides = array<i32>} : memref<16384xf32, #tpu.memory_space<vmem>>, vector<16xf32>,
      } {sc.loop_unroll_factor = 8 : i64, sc.parallel_access}
      %mul3A_133 = arith.constant 16384 : i32
      %mul3A_134 = arith.muli %add3A_117, %mul3A_133 : i32
      %add3A_135 = arith.addi %mul3A_2, %mul3A_134 : i32
      %dma_start3A_136 = tpu.memref_slice %arg4[%add3A_135] : memref<33554432xf32, #tpu.memory_space<hbm>> -> memref<16384xf32, #tpu.memory_space<hbm>>
      %dma_start3A_137 = tpu.memref_slice %arg4[%add3A_135] : memref<33554432xf32, #tpu.memory_space<hbm>> -> memref<16384xf32, #tpu.memory_space<hbm>>
      tpu.enqueue_dma source(%arg11 : memref<16384xf32, #tpu.memory_space<vmem>>) target(%dma_start3A_137 : memref<16384xf32, #tpu.memory_space<hbm>>) target_semaphore(%arg15 : memref<!tpu.dma_semaphore, #tpu.memory_space<semaphore_mem>>)
      %add3A_138 = arith.constant 2 : i32
      %add3A_139 = arith.addi %add3A_117, %add3A_138 : i32
      %mul3A_140 = arith.constant 16384 : i32
      %mul3A_141 = arith.muli %add3A_139, %mul3A_140 : i32
      %add3A_142 = arith.addi %mul3A_2, %mul3A_141 : i32
      %dma_start3A_143 = tpu.memref_slice %arg2[%add3A_142] : memref<33554432xf32, #tpu.memory_space<hbm>> -> memref<16384xf32, #tpu.memory_space<hbm>>
      %dma_start3A_144 = tpu.memref_slice %arg2[%add3A_142] : memref<33554432xf32, #tpu.memory_space<hbm>> -> memref<16384xf32, #tpu.memory_space<hbm>>
      tpu.enqueue_dma source(%dma_start3A_144 : memref<16384xf32, #tpu.memory_space<hbm>>) target(%arg9 : memref<16384xf32, #tpu.memory_space<vmem>>) target_semaphore(%arg13 : memref<!tpu.dma_semaphore, #tpu.memory_space<semaphore_mem>>)
    }
    %scan3A_44 = arith.constant 30 : i32
    %add3A_45 = arith.constant 1015808 : i32
    %add3A_46 = arith.addi %mul3A_2, %add3A_45 : i32
    %dma_wait3A_47 = tpu.memref_slice %arg2[%add3A_46] : memref<33554432xf32, #tpu.memory_space<hbm>> -> memref<16384xf32, #tpu.memory_space<hbm>>
    %dma_wait3A_48 = tpu.memref_slice %arg2[%add3A_46] : memref<33554432xf32, #tpu.memory_space<hbm>> -> memref<16384xf32, #tpu.memory_space<hbm>>
    tpu.wait_dma2 semaphore(%arg12 : memref<!tpu.dma_semaphore, #tpu.memory_space<semaphore_mem>>) src(%dma_wait3A_48 : memref<16384xf32, #tpu.memory_space<hbm>>) dst(%arg8 : memref<16384xf32, #tpu.memory_space<vmem>>)
    %add3A_49 = arith.constant 983040 : i32
    %add3A_50 = arith.addi %mul3A_2, %add3A_49 : i32
    %dma_wait3A_51 = tpu.memref_slice %arg4[%add3A_50] : memref<33554432xf32, #tpu.memory_space<hbm>> -> memref<16384xf32, #tpu.memory_space<hbm>>
    %dma_wait3A_52 = tpu.memref_slice %arg4[%add3A_50] : memref<33554432xf32, #tpu.memory_space<hbm>> -> memref<16384xf32, #tpu.memory_space<hbm>>
    tpu.wait_dma2 semaphore(%arg14 : memref<!tpu.dma_semaphore, #tpu.memory_space<semaphore_mem>>) src(%arg10 : memref<16384xf32, #tpu.memory_space<vmem>>) dst(%dma_wait3A_52 : memref<16384xf32, #tpu.memory_space<hbm>>)
    %parallel_loop3A_53 = arith.constant 0 : i32
    %parallel_loop3A_54 = arith.constant 1024 : i32
    %parallel_loop3A_55 = arith.constant 1 : i32
    scf.for %parallel_loop3A_83 = %parallel_loop3A_53 to %parallel_loop3A_54 step %parallel_loop3A_55  : i32 {
      %parallel_loop3A_84 = arith.constant 16 : i32
      %parallel_loop3A_85 = arith.muli %parallel_loop3A_83, %parallel_loop3A_84 : i32
      %parallel_loop3A_86 = arith.index_cast %parallel_loop3A_85 : i32 to index
      %parallel_loop3A_87 = tpu.vector_load %arg8[%parallel_loop3A_86] {strides = array<i32>} : memref<16384xf32, #tpu.memory_space<vmem>>, vector<16xf32>,
      %parallel_loop3A_88 = arith.constant 5.115000e+02 : f32
      %parallel_loop3A_89 = vector.broadcast %parallel_loop3A_88 : f32 to vector<16xf32>
      %parallel_loop3A_90 = arith.mulf %parallel_loop3A_87, %parallel_loop3A_89 : vector<16xf32>
      %parallel_loop3A_91 = arith.constant 5.115000e+02 : f32
      %parallel_loop3A_92 = vector.broadcast %parallel_loop3A_91 : f32 to vector<16xf32>
      %parallel_loop3A_93 = arith.addf %parallel_loop3A_90, %parallel_loop3A_92 : vector<16xf32>
      %parallel_loop3A_94 = arith.constant 0.000000e+00 : f32
      %parallel_loop3A_95 = vector.broadcast %parallel_loop3A_94 : f32 to vector<16xf32>
      %parallel_loop3A_96 = arith.maximumf %parallel_loop3A_93, %parallel_loop3A_95 : vector<16xf32>
      %parallel_loop3A_97 = arith.constant 1022.99994 : f32
      %parallel_loop3A_98 = vector.broadcast %parallel_loop3A_97 : f32 to vector<16xf32>
      %parallel_loop3A_99 = arith.minimumf %parallel_loop3A_96, %parallel_loop3A_98 : vector<16xf32>
      %parallel_loop3A_100 = arith.fptosi %parallel_loop3A_99 : vector<16xf32> to vector<16xi32>
      %parallel_loop3A_101 = tpu.vector_load_idx %arg6[%parallel_loop3A_100] : memref<1024xf32, #tpu.memory_space<vmem>>[vector<16xi32>], vector<16xf32>,
      %parallel_loop3A_102 = tpu.vector_load_idx %arg7[%parallel_loop3A_100] : memref<1024xf32, #tpu.memory_space<vmem>>[vector<16xi32>], vector<16xf32>,
      %parallel_loop3A_103 = arith.mulf %parallel_loop3A_99, %parallel_loop3A_102 : vector<16xf32>
      %parallel_loop3A_104 = arith.addf %parallel_loop3A_101, %parallel_loop3A_103 : vector<16xf32>
      %parallel_loop3A_105 = arith.constant 16 : i32
      %parallel_loop3A_106 = arith.muli %parallel_loop3A_83, %parallel_loop3A_105 : i32
      %parallel_loop3A_107 = arith.index_cast %parallel_loop3A_106 : i32 to index
      %parallel_loop3A_108 = tpu.vector_load %arg10[%parallel_loop3A_107] {strides = array<i32>} : memref<16384xf32, #tpu.memory_space<vmem>>, vector<16xf32>,
      tpu.vector_store %arg10[%parallel_loop3A_107], %parallel_loop3A_104 {strides = array<i32>} : memref<16384xf32, #tpu.memory_space<vmem>>, vector<16xf32>,
    } {sc.loop_unroll_factor = 8 : i64, sc.parallel_access}
    %add3A_56 = arith.constant 1015808 : i32
    %add3A_57 = arith.addi %mul3A_2, %add3A_56 : i32
    %dma_start3A_58 = tpu.memref_slice %arg4[%add3A_57] : memref<33554432xf32, #tpu.memory_space<hbm>> -> memref<16384xf32, #tpu.memory_space<hbm>>
    %dma_start3A_59 = tpu.memref_slice %arg4[%add3A_57] : memref<33554432xf32, #tpu.memory_space<hbm>> -> memref<16384xf32, #tpu.memory_space<hbm>>
    tpu.enqueue_dma source(%arg10 : memref<16384xf32, #tpu.memory_space<vmem>>) target(%dma_start3A_59 : memref<16384xf32, #tpu.memory_space<hbm>>) target_semaphore(%arg14 : memref<!tpu.dma_semaphore, #tpu.memory_space<semaphore_mem>>)
    %add3A_60 = arith.constant 1032192 : i32
    %add3A_61 = arith.addi %mul3A_2, %add3A_60 : i32
    %dma_wait3A_62 = tpu.memref_slice %arg2[%add3A_61] : memref<33554432xf32, #tpu.memory_space<hbm>> -> memref<16384xf32, #tpu.memory_space<hbm>>
    %dma_wait3A_63 = tpu.memref_slice %arg2[%add3A_61] : memref<33554432xf32, #tpu.memory_space<hbm>> -> memref<16384xf32, #tpu.memory_space<hbm>>
    tpu.wait_dma2 semaphore(%arg13 : memref<!tpu.dma_semaphore, #tpu.memory_space<semaphore_mem>>) src(%dma_wait3A_63 : memref<16384xf32, #tpu.memory_space<hbm>>) dst(%arg9 : memref<16384xf32, #tpu.memory_space<vmem>>)
    %add3A_64 = arith.constant 999424 : i32
    %add3A_65 = arith.addi %mul3A_2, %add3A_64 : i32
    %dma_wait3A_66 = tpu.memref_slice %arg4[%add3A_65] : memref<33554432xf32, #tpu.memory_space<hbm>> -> memref<16384xf32, #tpu.memory_space<hbm>>
    %dma_wait3A_67 = tpu.memref_slice %arg4[%add3A_65] : memref<33554432xf32, #tpu.memory_space<hbm>> -> memref<16384xf32, #tpu.memory_space<hbm>>
    tpu.wait_dma2 semaphore(%arg15 : memref<!tpu.dma_semaphore, #tpu.memory_space<semaphore_mem>>) src(%arg11 : memref<16384xf32, #tpu.memory_space<vmem>>) dst(%dma_wait3A_67 : memref<16384xf32, #tpu.memory_space<hbm>>)
    %parallel_loop3A_68 = arith.constant 0 : i32
    %parallel_loop3A_69 = arith.constant 1024 : i32
    %parallel_loop3A_70 = arith.constant 1 : i32
    scf.for %parallel_loop3A_83 = %parallel_loop3A_68 to %parallel_loop3A_69 step %parallel_loop3A_70  : i32 {
      %parallel_loop3A_84 = arith.constant 16 : i32
      %parallel_loop3A_85 = arith.muli %parallel_loop3A_83, %parallel_loop3A_84 : i32
      %parallel_loop3A_86 = arith.index_cast %parallel_loop3A_85 : i32 to index
      %parallel_loop3A_87 = tpu.vector_load %arg9[%parallel_loop3A_86] {strides = array<i32>} : memref<16384xf32, #tpu.memory_space<vmem>>, vector<16xf32>,
      %parallel_loop3A_88 = arith.constant 5.115000e+02 : f32
      %parallel_loop3A_89 = vector.broadcast %parallel_loop3A_88 : f32 to vector<16xf32>
      %parallel_loop3A_90 = arith.mulf %parallel_loop3A_87, %parallel_loop3A_89 : vector<16xf32>
      %parallel_loop3A_91 = arith.constant 5.115000e+02 : f32
      %parallel_loop3A_92 = vector.broadcast %parallel_loop3A_91 : f32 to vector<16xf32>
      %parallel_loop3A_93 = arith.addf %parallel_loop3A_90, %parallel_loop3A_92 : vector<16xf32>
      %parallel_loop3A_94 = arith.constant 0.000000e+00 : f32
      %parallel_loop3A_95 = vector.broadcast %parallel_loop3A_94 : f32 to vector<16xf32>
      %parallel_loop3A_96 = arith.maximumf %parallel_loop3A_93, %parallel_loop3A_95 : vector<16xf32>
      %parallel_loop3A_97 = arith.constant 1022.99994 : f32
      %parallel_loop3A_98 = vector.broadcast %parallel_loop3A_97 : f32 to vector<16xf32>
      %parallel_loop3A_99 = arith.minimumf %parallel_loop3A_96, %parallel_loop3A_98 : vector<16xf32>
      %parallel_loop3A_100 = arith.fptosi %parallel_loop3A_99 : vector<16xf32> to vector<16xi32>
      %parallel_loop3A_101 = tpu.vector_load_idx %arg6[%parallel_loop3A_100] : memref<1024xf32, #tpu.memory_space<vmem>>[vector<16xi32>], vector<16xf32>,
      %parallel_loop3A_102 = tpu.vector_load_idx %arg7[%parallel_loop3A_100] : memref<1024xf32, #tpu.memory_space<vmem>>[vector<16xi32>], vector<16xf32>,
      %parallel_loop3A_103 = arith.mulf %parallel_loop3A_99, %parallel_loop3A_102 : vector<16xf32>
      %parallel_loop3A_104 = arith.addf %parallel_loop3A_101, %parallel_loop3A_103 : vector<16xf32>
      %parallel_loop3A_105 = arith.constant 16 : i32
      %parallel_loop3A_106 = arith.muli %parallel_loop3A_83, %parallel_loop3A_105 : i32
      %parallel_loop3A_107 = arith.index_cast %parallel_loop3A_106 : i32 to index
      %parallel_loop3A_108 = tpu.vector_load %arg11[%parallel_loop3A_107] {strides = array<i32>} : memref<16384xf32, #tpu.memory_space<vmem>>, vector<16xf32>,
      tpu.vector_store %arg11[%parallel_loop3A_107], %parallel_loop3A_104 {strides = array<i32>} : memref<16384xf32, #tpu.memory_space<vmem>>, vector<16xf32>,
    } {sc.loop_unroll_factor = 8 : i64, sc.parallel_access}
    %add3A_71 = arith.constant 1032192 : i32
    %add3A_72 = arith.addi %mul3A_2, %add3A_71 : i32
    %dma_start3A_73 = tpu.memref_slice %arg4[%add3A_72] : memref<33554432xf32, #tpu.memory_space<hbm>> -> memref<16384xf32, #tpu.memory_space<hbm>>
    %dma_start3A_74 = tpu.memref_slice %arg4[%add3A_72] : memref<33554432xf32, #tpu.memory_space<hbm>> -> memref<16384xf32, #tpu.memory_space<hbm>>
    tpu.enqueue_dma source(%arg11 : memref<16384xf32, #tpu.memory_space<vmem>>) target(%dma_start3A_74 : memref<16384xf32, #tpu.memory_space<hbm>>) target_semaphore(%arg15 : memref<!tpu.dma_semaphore, #tpu.memory_space<semaphore_mem>>)
    %add3A_75 = arith.constant 1015808 : i32
    %add3A_76 = arith.addi %mul3A_2, %add3A_75 : i32
    %dma_wait3A_77 = tpu.memref_slice %arg4[%add3A_76] : memref<33554432xf32, #tpu.memory_space<hbm>> -> memref<16384xf32, #tpu.memory_space<hbm>>
    %dma_wait3A_78 = tpu.memref_slice %arg4[%add3A_76] : memref<33554432xf32, #tpu.memory_space<hbm>> -> memref<16384xf32, #tpu.memory_space<hbm>>
    tpu.wait_dma2 semaphore(%arg14 : memref<!tpu.dma_semaphore, #tpu.memory_space<semaphore_mem>>) src(%arg10 : memref<16384xf32, #tpu.memory_space<vmem>>) dst(%dma_wait3A_78 : memref<16384xf32, #tpu.memory_space<hbm>>)
    %add3A_79 = arith.constant 1032192 : i32
    %add3A_80 = arith.addi %mul3A_2, %add3A_79 : i32
    %dma_wait3A_81 = tpu.memref_slice %arg4[%add3A_80] : memref<33554432xf32, #tpu.memory_space<hbm>> -> memref<16384xf32, #tpu.memory_space<hbm>>
    %dma_wait3A_82 = tpu.memref_slice %arg4[%add3A_80] : memref<33554432xf32, #tpu.memory_space<hbm>> -> memref<16384xf32, #tpu.memory_space<hbm>>
    tpu.wait_dma2 semaphore(%arg15 : memref<!tpu.dma_semaphore, #tpu.memory_space<semaphore_mem>>) src(%arg11 : memref<16384xf32, #tpu.memory_space<vmem>>) dst(%dma_wait3A_82 : memref<16384xf32, #tpu.memory_space<hbm>>)
    return
  }
}

</mosaic_0001>

<sc_bundles>
// kernel: kernel.3.cloned.1.call-start
scs
__scs_entry_jumppad:
0x0: {  	(pc) =	sbr.rel $0x88, $3  }
0x1: {  	(tag) =	ssettag $0x0;
	lr =	simm.s32 $0x1  }
0x2: {  	[smem:$0x3F9F] =	sst lr;
	_ =	strace $0xD0000000  }
0x3: {  	_ = 	snop  }
0x4: {  	_ = 	snop  }
0x5: {  	_ = 	snop  }
0x6: {  	_ = 	snop  }
0x7: {  	_ = 	snop  }
__scs_overlays_trampoline_lowered:
0x8: {  	[smem:$0x3FAE] =	sst s0  }
0x9: {  	[smem:$0x3FAF] =	sst s1  }
0xa: {  	[smem:$0x3FB0] =	sst s2  }
0xb: {  	[smem:$0x3FB1] =	sst s3  }
0xc: {  	[smem:$0x3FB2] =	sst s4  }
0xd: {  	[smem:$0x3FB3] =	sst s5  }
0xe: {  	[smem:$0x3FB4] =	sst s6  }
0xf: {  	[smem:$0x3FB5] =	sst s7  }
0x10: {  	[smem:$0x3FB6] =	sst s8  }
0x11: {  	[smem:$0x3FB7] =	sst s9;
	s0 =	simm.s32 @!p0 $0x0  }
0x12: {  	s1 =	sld [smem:$0x3F9D];
	s0 =	simm.s32 @p0 $0x1  }
0x13: {  	[smem:$0x3FB8] =	sst s0;
	s0 =	simm.s32 @!p1 $0x0  }
0x14: {  	s2 =	sld [smem:$0x3F9C];
	s0 =	simm.s32 @p1 $0x1  }
0x15: {  	[smem:$0x3FB9] =	sst s0;
	s0 =	simm.s32 @!p2 $0x0  }
0x16: {  	s3 =	sld [smem:$0x3FDB];
	s0 =	simm.s32 @p2 $0x1  }
0x17: {  	s4 =	simm.s32 $0x1BF5;
	[smem:$0x3FBB] =	sst s0  }
0x18: {  	s0 =	sld [smem:$0x3F9E];
	_ =	swait.ge [sflag:s4], $0x0  }
0x19: {  	s7 =	sld [smem:$0x3F9F]  }
0x1a: {  	s8 =	sadd.s32 $0xFFFFE003, lr  }
0x1b: {  	s9 =	sadd.s32 $0xFFFFFEF7, lr;
	s5 =	simm.s32 $0xFFFFFFFF;
	p2 =	slt.u32 s8, $0xFFFFF086  }
0x1c: {  	p1 =	slt.u32 s9, $0xF7A;
	s5 =	simm.s32 @!p2 $0x0  }
0x1d: {  	s5 =	simm.s32 @p1 $0x1;
	p0 =	seq.s32 s7, s2  }
0x1e: {  	s7 =	smul.u32 @!p0 $0xF7A, s2;
	p2 =	seq.s32 @!p0 s5, $0x0  }
0x1f: {  	s9 =	smul.u32 $0xF7A, s1;
	s8 =	simm.s32 @!p0 $0x1BF5;
	p2 =	por !p2, p0  }
0x20: {  	[sflag:s8] =	ssyncset.s32 @!p0 $0xFFFFF086;
	s6 =	sadd.s32 @!p0 s3, s7;
	s7 =	simm.s32 @!p0 $0x108  }
0x21: {  	s3 =	sadd.s32 s3, s9;
	s6 =	sadd.s32 @!p0 $0x88, s6;
	s7 =	simm.s32 @p2 $0x1082  }
0x22: {  	[simem:s7], [sflag:s8] =	dma.local @!p0 [hbm:s6], $0xF7A  }
0x23: {  	s9 =	sor.u32 $0xD0000000, s2;
	s6 =	simm.s32 $0x108;
	_ =	swait.ge @!p0 [sflag:s8], $0x0  }
0x24: {  	s3 =	sadd.s32 $0x88, s3;
	s6 =	simm.s32 @!p1 $0x1082;
	[sflag:s4] =	ssyncset.s32 $0xFFFFF086  }
0x25: {  	[simem:s6], [sflag:s4] =	dma.local [hbm:s3], $0xF7A  }
0x26: {  	[smem:$0x3F9F] =	sst s1;
	(tag) =	ssettag s2;
	_ =	strace s9  }
0x27: {  	s1 =	sld [smem:$0x3FAF]  }
0x28: {  	s2 =	sld [smem:$0x3FB0]  }
0x29: {  	s4 =	sld [smem:$0x3FB2]  }
0x2a: {  	p0 =	seq.s32 s5, $0x0;
	s5 =	sld [smem:$0x3FB3]  }
0x2b: {  	s6 =	sld [smem:$0x3FB4]  }
0x2c: {  	s7 =	sld [smem:$0x3FB5]  }
0x2d: {  	s3 =	simm.s32 $0x108;
	s8 =	sld [smem:$0x3FB6]  }
0x2e: {  	s3 =	simm.s32 @!p0 $0x1082;
	s9 =	sld [smem:$0x3FB7]  }
0x2f: {  	lr =	sadd.s32 s0, s3;
	s0 =	sld [smem:$0x3FAE]  }
0x30: {  	s3 =	sld [smem:$0x3FB1]  }
0x31: {  	[smem:$0x3FBA] =	sst s10  }
0x32: {  	s10 =	sld [smem:$0x3FB8];
	_ =	sdelay $0x3  }
0x33: {  	p0 =	seq.s32 s10, $0x1;
	s10 =	sld [smem:$0x3FBA];
	_ =	sdelay $0x3  }
0x34: {  	[smem:$0x3FBA] =	sst s10  }
0x35: {  	s10 =	sld [smem:$0x3FB9];
	_ =	sdelay $0x3  }
0x36: {  	p1 =	seq.s32 s10, $0x1;
	s10 =	sld [smem:$0x3FBA];
	_ =	sdelay $0x3  }
0x37: {  	[smem:$0x3FBA] =	sst s10  }
0x38: {  	s10 =	sld [smem:$0x3FBB]  }
0x39: {  	_ = 	snop;
	(pc) =	sbr.ind lr, $3  }
0x3a: {  	_ = 	snop  }
0x3b: {  	_ = 	snop  }
0x3c: {  	p2 =	seq.s32 s10, $0x1;
	s10 =	sld [smem:$0x3FBA]  }
0x3d: {  	_ =	shalt  }
0x3e: {  	_ =	shalt  }
0x3f: {  	_ =	shalt  }
0x40: {  	_ =	shalt  }
0x41: {  	_ =	shalt  }
0x42: {  	_ =	shalt  }
0x43: {  	_ =	shalt  }
0x44: {  	_ =	shalt  }
0x45: {  	_ =	shalt  }
0x46: {  	_ =	shalt  }
0x47: {  	_ =	shalt  }
0x48: {  	_ =	shalt  }
0x49: {  	_ =	shalt  }
0x4a: {  	_ =	shalt  }
0x4b: {  	_ =	shalt  }
0x4c: {  	_ =	shalt  }
0x4d: {  	_ =	shalt  }
0x4e: {  	_ =	shalt  }
0x4f: {  	_ =	shalt  }
0x50: {  	_ =	shalt  }
0x51: {  	_ =	shalt  }
0x52: {  	_ =	shalt  }
0x53: {  	_ =	shalt  }
0x54: {  	_ =	shalt  }
0x55: {  	_ =	shalt  }
0x56: {  	_ =	shalt  }
0x57: {  	_ =	shalt  }
0x58: {  	_ =	shalt  }
0x59: {  	_ =	shalt  }
0x5a: {  	_ =	shalt  }
0x5b: {  	_ =	shalt  }
0x5c: {  	_ =	shalt  }
0x5d: {  	_ =	shalt  }
0x5e: {  	_ =	shalt  }
0x5f: {  	_ =	shalt  }
0x60: {  	_ =	shalt  }
0x61: {  	_ =	shalt  }
0x62: {  	_ =	shalt  }
0x63: {  	_ =	shalt  }
0x64: {  	_ =	shalt  }
0x65: {  	_ =	shalt  }
0x66: {  	_ =	shalt  }
0x67: {  	_ =	shalt  }
0x68: {  	_ =	shalt  }
0x69: {  	_ =	shalt  }
0x6a: {  	_ =	shalt  }
0x6b: {  	_ =	shalt  }
0x6c: {  	_ =	shalt  }
0x6d: {  	_ =	shalt  }
0x6e: {  	_ =	shalt  }
0x6f: {  	_ =	shalt  }
0x70: {  	_ =	shalt  }
0x71: {  	_ =	shalt  }
0x72: {  	_ =	shalt  }
0x73: {  	_ =	shalt  }
0x74: {  	_ =	shalt  }
0x75: {  	_ =	shalt  }
0x76: {  	_ =	shalt  }
0x77: {  	_ =	shalt  }
0x78: {  	_ =	shalt  }
0x79: {  	_ =	shalt  }
0x7a: {  	_ =	shalt  }
0x7b: {  	_ =	shalt  }
0x7c: {  	_ =	shalt  }
0x7d: {  	_ =	shalt  }
0x7e: {  	_ =	shalt  }
0x7f: {  	_ =	shalt  }
0x80: {  	_ =	shalt  }
0x81: {  	_ =	shalt  }
0x82: {  	_ =	shalt  }
0x83: {  	_ =	shalt  }
0x84: {  	_ =	shalt  }
0x85: {  	_ =	shalt  }
0x86: {  	_ =	shalt  }
0x87: {  	_ =	shalt  }
.Lfunc_end0:
.L_simem_size_0:
called_computation_lowered:
.L_overlay_start_0:
0x88: {  	s2 =	sld [smem:$0x3FD9]  }
0x89: {  	s3 =	sld [smem:$0x3FFE];
	_ =	sdelay $0x1  }
0x8a: {  	s1 =	srdreg.scid  }
0x8b: {  	s0 =	sand.u32 $0x1, s1  }
0x8c: {  	s18 =	sshll.u32 s0, $0xA;
	s2 =	sadd.s32 s3, s2  }
0x8d: {  	s2 =	sadd.s32 s2, s18  }
0x8e: {  	[smem:$0x3FC6] =	sst s2  }
0x8f: {  	_ = 	snop  }
0x90: {  	s2 =	sld [smem:$0x3FC9]  }
0x91: {  	s19 =	sld [smem:$0x3FC8]  }
0x92: {  	s4 =	sld [smem:$0x3FD0];
	(tm) =	ssettm $0x1  }
0x93: {  	s5 =	sld [smem:$0x3FFB];
	_ =	sdelay $0x3  }
0x94: {  	_ =	strace s5  }
0x95: {  	s5 =	sld [smem:$0x3FFC];
	_ =	sdelay $0x3  }
0x96: {  	_ =	strace s5  }
0x97: {  	s5 =	sld [smem:$0x3FFD];
	_ =	sdelay $0x3  }
0x98: {  	_ =	strace s5  }
0x99: {  	_ =	strace $0x8FFFFFFF  }
0x9a: {  	s20 =	sld [smem:$0x3FDB];
	_ =	sdelay $0x1  }
0x9b: {  	s6 =	simm.s32 $_scs_section_size  }
0x9c: {  	s7 =	simm.s32 $_size__tile_overlayer_lowered;
	s8 =	simm.s32 $_tile_overlayer_lowered  }
0x9d: {  	s23 =	simm.s32 $0x1BFF;
	s22 =	sshll.u32 s8, $0x1;
	s5 =	sadd.s32 s6, s20  }
0x9e: {  	s9 =	simm.s32 $0x0;
	s21 =	sshll.u32 s7, $0x1;
	s7 =	sadd.s32 s22, s5  }
0x9f: {  	[timem:s9], [sflag:s23] =	dma.local [hbm:s7], s21  }
0xa0: {  	_ =	swait.ge [sflag:s23], s21  }
0xa1: {  	s6 =	ssub.s32 $0x0, s21;
	[sflag:s23] =	ssyncset.done $0x0  }
0xa2: {  	[sflag:s23] =	ssyncadd.s32 s6;
	_ =	sdelay $0x1  }
0xa3: {  	s24 =	simm.s32 $0x1B8B  }
0xa4: {  	_ =	swait.ge [sflag:s24], $0x1  }
0xa5: {  	[sflag:s24] =	ssyncset.done $0x0  }
0xa6: {  	s25 =	simm.s32 $0x1B8E;
	[sflag:s24] =	ssyncadd.s32 $0xFFFFFFFF  }
0xa7: {  	s26 =	simm.s32 $execute0_lowered;
	[smem:$0x3FD2] =	sst s25  }
0xa8: {  	s6 =	sshll.u32 s26, $0x1;
	_ =	strace $0x80000046;
	[dreg:$0x1] =	wrdreg $0xFFFFFFFF  }
0xa9: {  	s28 =	simm.s32 $_size_execute0_lowered;
	s5 =	sadd.s32 s5, s6;
	[dreg:$0x0] =	wrdreg $0x0  }
0xaa: {  	s6 =	sshll.u32 s28, $0x1;
	[dreg:$0x2] =	wrdreg s5  }
0xab: {  	[dreg:$0x3] =	wrdreg s6  }
0xac: {  	[dreg:$0x4] =	wrdreg $0xC0  }
0xad: {  	_ =	task [dreg:s9], $0x5FFFF  }
0xae: {  	[dreg:$0x1] =	wrdreg $0xFFFFFFFF  }
0xaf: {  	[dreg:$0x0] =	wrdreg $0x60  }
0xb0: {  	[dreg:$0x2] =	wrdreg s2  }
0xb1: {  	[dreg:$0x3] =	wrdreg s19  }
0xb2: {  	[dreg:$0x4] =	wrdreg s4  }
0xb3: {  	[dreg:$0x5] =	wrdreg $0x9  }
0xb4: {  	_ =	task.clear_ibuf [dreg:s9], $0x6FFFF;
	_ =	strace $0x90000046  }
0xb5: {  	s29 =	simm.s32 $0x9;
	_ =	strace $0x80000048  }
0xb6: {  	_ =	swait.ge [sflag:s29], $0x1  }
0xb7: {  	[sflag:s29] =	ssyncadd.s32 $0xFFFFFFFF  }
0xb8: {  	_ =	strace $0x90000048  }
0xb9: {  	_ =	sfence  }
0xba: {  	s30 =	sld [smem:$0x0];
	_ =	sdelay $0x2  }
0xbb: {  	s31 =	sshll.u32 s1, $0xD;
	s1 =	sshrl.u32 s1, $0x2  }
0xbc: {  	s3 =	sand.u32 $0x4000, s31;
	s1 =	sadd.s32 s1, s30  }
0xbd: {  	s0 =	sor.u32 s3, s0;
	s1 =	sshll.u32 s1, $0x11  }
0xbe: {  	s0 =	sor.u32 s1, s0  }
0xbf: {  	s0 =	sadd.s32 $0x8F2B, s0  }
0xc0: {  	[sflag:s0] =	ssyncadd.remote.s32 $0x1  }
0xc1: {  	_ =	sfence.sel $0xFFFF  }
0xc2: {  	[dreg:$0x0] =	wrdreg $0xFFFFFFFF;
	(pc) =	sbr.abs _section_cstart, $3  }
0xc3: {  	[dreg:$0x1] =	wrdreg $0xFFFFFFFF  }
0xc4: {  	_ =	task.clear_ibuf [dreg:s9], $0x2FFFF;
	_ =	strace $0x9FFFFFFF  }
0xc5: {  	(tm) =	ssettm $0x7FFFFFFF  }
tec
execute0_lowered:
.L_overlay_start_1:
0x0: {  	(tag) =	ssettag $0x1  }
0x1: {  	s1 =	rddreg [dreg:$0x0];
	s0 =	srdreg.scid  }
0x2: {  	s2 =	stileid.u32;
	s4 =	rddreg [dreg:$0x2]  }
0x3: {  	s5 =	simm.s32 $0x0;
	s18 =	simm.s32 $0xC00;
	s19 =	simm.s32 $0x4C00  }
0x4: {  	s20 =	simm.s32 $0x5;
	s28 =	simm.s32 $0x3;
	s0 =	sand.u32 $0x1, s0  }
0x5: {  	s2 =	sshll.u32 s2, $0x15;
	s3 =	sshll.u32 s0, $0x14;
	s0 =	ssub.s32 $0x2, s0  }
0x6: {  	s29 =	simm.s32 $0x4;
	s6 =	sor.u32 s3, s2;
	s21 =	sshrl.u32 s0, $0x1  }
0x7: {  	[smem:$0x7FF] =	sst s5;
	s2 =	sshrl.u32 s6, $0x3;
	s0 =	ssub.s32 s0, s21  }
0x8: {  	_ =	strace $0x80000047;
	s8 =	sor.u32 $0x800, s2;
	s0 =	smax.u32 s0, $0x1  }
0x9: {  	s7 =	sadd.s32 s1, s2;
	s22 =	sadd.s32 s1, s8;
	[dreg:$0xa] =	wrdreg s0  }
0xa: {  	s30 =	simm.s32 $0x0;
	s23 =	sadd.s32 $0x1000, s7;
	[dreg:$0x4] =	wrdreg s22  }
0xb: {  	s13 =	sor.u32 $0x8000, s6;
	s24 =	sadd.s32 s4, s8;
	[dreg:$0x5] =	wrdreg s23  }
0xc: {  	s9 =	sadd.s32 s4, s2;
	s25 =	sadd.s32 $0x1800, s7;
	[dreg:$0x6] =	wrdreg s24  }
0xd: {  	s14 =	sor.u32 $0xC000, s6;
	s26 =	sadd.s32 $0x1F000, s9;
	[dreg:$0x7] =	wrdreg s25  }
0xe: {  	s21 =	simm.s32 $0x1;
	s31 =	sadd.s32 $0x1F800, s9;
	[dreg:$0x8] =	wrdreg s26  }
0xf: {  	v0 =	vlaneseq.u32;
	[dreg:$0x9] =	wrdreg s31;
	s22 =	simm.s32 $0x400;
	s23 =	simm.s32 $0x800  }
0x10: {  	v1 =	vadd.s32 $0x1, v0;
	s24 =	simm.s32 $0x8C00;
	s25 =	simm.s32 $0x2;
	s26 =	simm.s32 $0xCC00  }
.LBB2_1:
0x11: {  	[tilespmem:s18], [sflag:$0x1] =	stream.linear.gather [hbm4b:s7+s5], $0x4000, $0x38;
	[tilespmem:$0x10C00] =	vst v63  }
0x12: {  	s0 =	rddreg [dreg:$0x4]  }
0x13: {  	[tilespmem:s19], [sflag:$0x2] =	stream.linear.gather [hbm4b:s0+s5], $0x4000, $0x38;
	[tilespmem:$0x10C00] =	vst v63  }
0x14: {  	s8 =	rddreg [dreg:$0x1]  }
0x15: {  	[tilespmem:s5], [sflag:$0x5] =	stream.linear.gather [hbm4b:s8+s5], $0x400, $0x38;
	[tilespmem:$0x10C00] =	vst v63  }
0x16: {  	s10 =	simm.s32 $0x10;
	s2 =	simm.s32 $0x30;
	_ =	swait.ge [sflag:s20], $0x400  }
0x17: {  	s3 =	simm.s32 $0x20;
	v2 =	vadd.s32 s10, v1;
	v3 =	vadd.s32 s2, v1;
	[sflag:s20] =	ssyncset.done $0x0  }
0x18: {  	v4 =	vor.u32 s3, v1;
	vm0 =	vlt.s32 v3, $0x3FF;
	s8 =	simm.s32 $0x20;
	[sflag:s20] =	ssyncadd.s32 $0xFFFFFC00  }
0x19: {  	v3 =	vnsel vm0, $0x3FF, v3;
	v5 =	vld [tilespmem:s8+$0x10]  }
0x1a: {  	v6 =	vld [tilespmem:s8+$0x0]  }
0x1b: {  	v7 =	vld [tilespmem:s8+$0xFFFFFFF0]  }
0x1c: {  	v8 =	vld.idx.msk [tilespmem:v2+s5+$0x0], $0xffff  }
0x1d: {  	s11 =	simm.s32 $0x50;
	v11 =	vor.u32 s5, v1;
	v4 =	vld.idx.msk [tilespmem:v4+s5+$0x0], $0xffff  }
0x1e: {  	s15 =	simm.s32 $0x60;
	v13 =	vadd.s32 s11, v1;
	v3 =	vld.idx.msk [tilespmem:v3+s5+$0x0], $0xffff  }
0x1f: {  	v9 =	vor.u32 s10, v0;
	s10 =	simm.s32 $0x60;
	v15 =	vor.u32 s15, v1;
	v19 =	vld [tilespmem:s8+$0xFFFFFFE0]  }
0x20: {  	v20 =	vld [tilespmem:s10+$0x0]  }
0x21: {  	s12 =	simm.s32 $0x70;
	v17 =	vld [tilespmem:s10+$0xFFFFFFF0]  }
0x22: {  	v10 =	vor.u32 s2, v0;
	v12 =	vor.u32 s3, v0;
	v14 =	vadd.s32 s12, v1;
	v11 =	vld.idx.msk [tilespmem:v11+s5+$0x0], $0xffff  }
0x23: {  	s31 =	simm.s32 $0xA0;
	v16 =	vor.u32 s11, v0;
	v18 =	vor.u32 s12, v0;
	vm14 =	vlt.s32 v14, $0x3FF;
	v13 =	vld.idx.msk [tilespmem:v13+s5+$0x0], $0xffff  }
0x24: {  	v22 =	vor.u32 s15, v0;
	v25 =	vor.u32 s31, v1;
	v14 =	vnsel vm14, $0x3FF, v14;
	v15 =	vld.idx.msk [tilespmem:v15+s5+$0x0], $0xffff  }
0x25: {  	v10 =	vcvt.s32.f32 v10;
	v9 =	vcvt.s32.f32 v9;
	v8 =	vsub.f32 v8, v7  }
0x26: {  	v12 =	vcvt.s32.f32 v12;
	v16 =	vcvt.s32.f32 v16;
	v4 =	vsub.f32 v4, v6  }
0x27: {  	v22 =	vcvt.s32.f32 v22;
	v21 =	vsub.f32 v3, v5;
	v9 =	vmul.f32 v9, v8  }
0x28: {  	s16 =	simm.s32 $0x820;
	s12 =	simm.s32 $0x40;
	v2 =	vld [tilespmem:s10+$0x10];
	v11 =	vsub.f32 v11, v19;
	v13 =	vsub.f32 v13, v17;
	v3 =	vmul.f32 v12, v4  }
0x29: {  	s11 =	simm.s32 $0xB0;
	s0 =	simm.s32 $0xA0;
	v15 =	vsub.f32 v15, v20;
	[tilespmem:s16+$0xFFFFFFF0] =	vst v8;
	v8 =	vld.idx.msk [tilespmem:v14+s5+$0x0], $0xffff;
	v14 =	vor.u32 s12, v1;
	v9 =	vsub.f32 v7, v9  }
0x2a: {  	s17 =	simm.s32 $0x90;
	[tilespmem:s16+$0x0] =	vst v4;
	v4 =	vld [tilespmem:s0+$0x0];
	v7 =	vmul.f32 v10, v21;
	v23 =	vsub.f32 v6, v3;
	v6 =	vadd.s32 s11, v1  }
0x2b: {  	[tilespmem:s16+$0x10] =	vst v21;
	v10 =	vcvt.s32.f32 v18;
	v3 =	vld [tilespmem:s0+$0x10];
	v18 =	vadd.s32 s17, v1;
	vm15 =	vlt.s32 v6, $0x3FF  }
0x2c: {  	s3 =	simm.s32 $0x860;
	v12 =	vor.u32 s5, v0;
	[tilespmem:s16+$0xFFFFFFE0] =	vst v11;
	v24 =	vsub.f32 v5, v7;
	v5 =	vld [tilespmem:s10+$0xFFFFFFE0];
	v63 =	vnsel vm15, $0x3FF, v6  }
0x2d: {  	[tilespmem:s3+$0xFFFFFFF0] =	vst v13;
	v28 =	vmul.f32 v16, v13;
	v26 =	vcvt.s32.f32 v12;
	v6 =	vld [tilespmem:s0+$0xFFFFFFF0]  }
0x2e: {  	s2 =	simm.s32 $0x420;
	v27 =	vor.u32 s11, v0;
	[tilespmem:s3+$0x0] =	vst v15;
	v22 =	vmul.f32 v22, v15;
	v12 =	vld.idx.msk [tilespmem:v14+s5+$0x0], $0xffff;
	v14 =	vsub.f32 v8, v2  }
0x2f: {  	v15 =	vld.idx.msk [tilespmem:v25+s5+$0x0], $0xffff;
	v16 =	vor.u32 s12, v0;
	v17 =	vsub.f32 v17, v28;
	v26 =	vmul.f32 v26, v11;
	[tilespmem:s2+$0xFFFFFFF0] =	vst v9  }
0x30: {  	s8 =	simm.s32 $0x80;
	s12 =	simm.s32 $0xE0;
	v7 =	vor.u32 s17, v0;
	v9 =	vor.u32 s31, v0;
	[tilespmem:s2+$0x0] =	vst v23;
	v13 =	vld.idx.msk [tilespmem:v18+s5+$0x0], $0xffff;
	v18 =	vmul.f32 v10, v14  }
0x31: {  	s11 =	simm.s32 $0x8;
	s31 =	simm.s32 $0xC0;
	s10 =	simm.s32 $0x460;
	v8 =	vcvt.s32.f32 v27;
	v19 =	vsub.f32 v19, v26;
	[tilespmem:s2+$0x10] =	vst v24;
	v10 =	vsub.f32 v20, v22;
	v11 =	vld.idx.msk [tilespmem:v63+s5+$0x0], $0xffff  }
.LBB2_2:
0x32: {  	s15 =	sadd.s32 $0x10, s31;
	s16 =	sadd.s32 $0x20, s31;
	s17 =	sadd.s32 $0x30, s31;
	v20 =	vor.u32 s8, v1;
	v21 =	vcvt.s32.f32 v7;
	v22 =	vsub.f32 v2, v18;
	v2 =	vmovc v3;
	v3 =	vld [tilespmem:s12+$0x10];
	v23 =	vmovc v5  }
0x33: {  	s11 =	sadd.s32 $0x4, s11;
	v26 =	vmovc v6;
	v18 =	vadd.s32 s15, v1;
	v24 =	vor.u32 s16, v1;
	v25 =	vadd.s32 s17, v1;
	[tilespmem:s2+$0xFFFFFFE0] =	vst v19;
	v19 =	vmovc v4;
	s2 =	smov.u32 s10  }
0x34: {  	v7 =	vor.u32 s15, v0;
	p0 =	slt.u32 s11, $0x3C;
	v27 =	vsub.f32 v12, v23;
	vm0 =	vlt.s32 v25, $0x3FF;
	v5 =	vld [tilespmem:s0+$0xFFFFFFE0];
	[tilespmem:s3+$0x10] =	vst v14;
	s0 =	smov.u32 s12  }
0x35: {  	v16 =	vcvt.s32.f32 v16;
	v13 =	vsub.f32 v13, v26;
	v4 =	vld [tilespmem:s12+$0x0];
	v25 =	vnsel vm0, $0x3FF, v25;
	[tilespmem:s10+$0xFFFFFFF0] =	vst v17  }
.Ltmp0:
0x36: {  	v28 =	vor.u32 s17, v0;
	v15 =	vsub.f32 v15, v19;
	v17 =	vcvt.s32.f32 v9;
	v6 =	vld [tilespmem:s12+$0xFFFFFFF0];
	[tilespmem:s3+$0xFFFFFFE0] =	vst v27;
	s3 =	sadd.s32 $0x40, s3;
	(pc) =	sbr.rel @p0 .LBB2_2-.Ltmp0, $4  }
0x37: {  	v14 =	vsub.f32 v11, v2;
	v12 =	vld.idx.msk [tilespmem:v20+s5+$0x0], $0xffff;
	[tilespmem:s3+$0xFFFFFFF0] =	vst v13;
	v20 =	vmul.f32 v21, v13  }
0x38: {  	v9 =	vor.u32 s16, v0;
	v27 =	vmul.f32 v16, v27;
	v21 =	vmul.f32 v17, v15;
	v13 =	vld.idx.msk [tilespmem:v18+s5+$0x0], $0xffff;
	[tilespmem:s3+$0x0] =	vst v15  }
0x39: {  	v16 =	vor.u32 s8, v0;
	s8 =	smov.u32 s31;
	v18 =	vmul.f32 v8, v14;
	v15 =	vld.idx.msk [tilespmem:v24+s5+$0x0], $0xffff;
	v17 =	vsub.f32 v26, v20;
	[tilespmem:s10+$0x0] =	vst v10  }
0x3a: {  	s31 =	sadd.s32 $0x40, s31;
	s12 =	sadd.s32 $0x40, s12;
	v8 =	vcvt.s32.f32 v28;
	v10 =	vsub.f32 v19, v21;
	v19 =	vsub.f32 v23, v27;
	s10 =	sadd.s32 $0x40, s10;
	v11 =	vld.idx.msk [tilespmem:v25+s5+$0x0], $0xffff;
	[tilespmem:s2+$0x10] =	vst v22  }
0x3b: {  	v20 =	vor.u32 s8, v1;
	_ =	sdelay $0x1  }
0x3c: {  	[tilespmem:s3+$0x10] =	vst v14  }
0x3d: {  	[tilespmem:s10+$0xFFFFFFF0] =	vst v17  }
0x3e: {  	v14 =	vld [tilespmem:s0+$0xFFFFFFE0];
	v16 =	vcvt.s32.f32 v16;
	[tilespmem:s2+$0xFFFFFFE0] =	vst v19;
	v12 =	vsub.f32 v12, v5  }
0x3f: {  	v7 =	vcvt.s32.f32 v7;
	v2 =	vsub.f32 v2, v18;
	[tilespmem:s10+$0x0] =	vst v10;
	v13 =	vsub.f32 v13, v6;
	v17 =	vld.idx.msk [tilespmem:v20+s5+$0x0], $0xffff  }
0x40: {  	[tilespmem:s3+$0xFFFFFFE0] =	vst v12;
	v12 =	vmul.f32 v16, v12  }
0x41: {  	s15 =	sadd.s32 $0x40, s3;
	v9 =	vcvt.s32.f32 v9;
	[tilespmem:s10+$0x10] =	vst v2;
	v15 =	vsub.f32 v15, v4;
	v7 =	vmul.f32 v7, v13  }
0x42: {  	[tilespmem:s15+$0xFFFFFFF0] =	vst v13;
	v10 =	vsub.f32 v11, v3;
	v5 =	vsub.f32 v5, v12  }
0x43: {  	v11 =	vor.u32 s8, v0;
	[tilespmem:s15+$0x0] =	vst v15;
	v9 =	vmul.f32 v9, v15;
	v2 =	vsub.f32 v6, v7  }
0x44: {  	v6 =	vcvt.s32.f32 v11;
	v7 =	vmul.f32 v8, v10;
	[tilespmem:s10+$0xFFFFFFE0] =	vst v5;
	v5 =	vsub.f32 v17, v14  }
0x45: {  	s16 =	sadd.s32 $0x40, s10;
	[tilespmem:s15+$0x10] =	vst v10;
	v4 =	vsub.f32 v4, v9  }
0x46: {  	[tilespmem:s16+$0xFFFFFFF0] =	vst v2;
	v3 =	vsub.f32 v3, v7;
	v2 =	vmul.f32 v6, v5  }
0x47: {  	[tilespmem:s16+$0x0] =	vst v4  }
0x48: {  	[tilespmem:s16+$0x10] =	vst v3;
	v2 =	vsub.f32 v14, v2  }
0x49: {  	[tilespmem:s15+$0xFFFFFFE0] =	vst v5  }
0x4a: {  	[tilespmem:s16+$0xFFFFFFE0] =	vst v2  }
0x4b: {  	_ =	swait.ge [sflag:s21], $0x4000  }
0x4c: {  	[sflag:s21] =	ssyncset.done $0x0  }
0x4d: {  	s17 =	simm.s32 $0xC40;
	[sflag:s21] =	ssyncadd.s32 $0xFFFFC000  }
0x4e: {  	v2 =	vld [tilespmem:s17+$0x30]  }
0x4f: {  	v5 =	vld [tilespmem:s17+$0xFFFFFFF0];
	_ =	sdelay $0x1  }
0x50: {  	s31 =	simm.s32 $0xCC0;
	v3 =	vld [tilespmem:s17+$0xFFFFFFD0]  }
0x51: {  	v19 =	vld [tilespmem:s31+$0xFFFFFFE0]  }
0x52: {  	v23 =	vld [tilespmem:s31+$0x0]  }
0x53: {  	v4 =	vld [tilespmem:s17+$0xFFFFFFE0];
	v2 =	vmul.f32 $5.115000000e+02, v2;
	v5 =	vmul.f32 $5.115000000e+02, v5  }
0x54: {  	v6 =	vld [tilespmem:s17+$0x0]  }
0x55: {  	v7 =	vld [tilespmem:s17+$0x10];
	v2 =	vadd.f32 $5.115000000e+02, v2;
	v5 =	vadd.f32 $5.115000000e+02, v5  }
0x56: {  	v8 =	vld [tilespmem:s17+$0xFFFFFFC0];
	v3 =	vmul.f32 $5.115000000e+02, v3;
	v19 =	vmul.f32 $5.115000000e+02, v19  }
0x57: {  	v9 =	vld [tilespmem:s17+$0x20];
	v24 =	vmul.f32 $5.115000000e+02, v23;
	v2 =	vmax.f32 v2, $0.0e+00;
	v5 =	vmax.f32 v5, $0.0e+00  }
0x58: {  	v10 =	vmin.f32 v2, $1.022999940e+03;
	v2 =	vmul.f32 $5.115000000e+02, v4;
	v5 =	vmin.f32 v5, $1.022999940e+03  }
0x59: {  	v3 =	vadd.f32 $5.115000000e+02, v3;
	v4 =	vtrunc.f32 v10;
	v17 =	vtrunc.f32 v5  }
0x5a: {  	v19 =	vadd.f32 $5.115000000e+02, v19;
	v11 =	vcvt.f32.s32 v4;
	v4 =	vmul.f32 $5.115000000e+02, v6  }
0x5b: {  	v6 =	vmul.f32 $5.115000000e+02, v7;
	v2 =	vadd.f32 $5.115000000e+02, v2;
	v7 =	vmul.f32 $5.115000000e+02, v8  }
0x5c: {  	v3 =	vmax.f32 v3, $0.0e+00;
	v8 =	vmul.f32 $5.115000000e+02, v9;
	v32 =	vcvt.f32.s32 v17  }
0x5d: {  	v4 =	vadd.f32 $5.115000000e+02, v4;
	v6 =	vadd.f32 $5.115000000e+02, v6;
	v9 =	vmax.f32 v2, $0.0e+00  }
0x5e: {  	v16 =	vld [tilespmem:s31+$0x30];
	v7 =	vadd.f32 $5.115000000e+02, v7;
	v8 =	vadd.f32 $5.115000000e+02, v8;
	v2 =	vmin.f32 v3, $1.022999940e+03  }
0x5f: {  	v18 =	vld [tilespmem:s31+$0xFFFFFFD0];
	v15 =	vtrunc.f32 v2;
	v12 =	vmax.f32 v4, $0.0e+00;
	v13 =	vmax.f32 v6, $0.0e+00  }
0x60: {  	v17 =	vld [tilespmem:s31+$0x10];
	v3 =	vmax.f32 v7, $0.0e+00;
	v4 =	vmin.f32 v9, $1.022999940e+03;
	v21 =	vcvt.f32.s32 v15  }
0x61: {  	v3 =	vmin.f32 v3, $1.022999940e+03;
	v6 =	vmin.f32 v12, $1.022999940e+03;
	v12 =	vtrunc.f32 v4;
	v14 =	vld.idx.msk [tilespmem:v11+s23+$0x0], $0xffff  }
0x62: {  	v7 =	vmin.f32 v13, $1.022999940e+03;
	v9 =	vld.idx.msk [tilespmem:v11+s22+$0x0], $0xffff;
	v11 =	vtrunc.f32 v3;
	v13 =	vtrunc.f32 v6  }
0x63: {  	v27 =	vadd.f32 $5.115000000e+02, v24;
	v15 =	vld [tilespmem:s31+$0xFFFFFFF0];
	v20 =	vtrunc.f32 v7;
	v28 =	vcvt.f32.s32 v12  }
0x64: {  	v8 =	vmax.f32 v8, $0.0e+00;
	v12 =	vmul.f32 $5.115000000e+02, v16;
	v16 =	vmul.f32 $5.115000000e+02, v18;
	v18 =	vld [tilespmem:s31+$0xFFFFFFC0]  }
0x65: {  	v8 =	vmin.f32 v8, $1.022999940e+03;
	v11 =	vcvt.f32.s32 v11;
	v33 =	vcvt.f32.s32 v13;
	v13 =	vld [tilespmem:s31+$0x20]  }
0x66: {  	v34 =	vcvt.f32.s32 v20;
	v12 =	vadd.f32 $5.115000000e+02, v12;
	v20 =	vadd.f32 $5.115000000e+02, v16;
	v16 =	vld.idx.msk [tilespmem:v32+s23+$0x0], $0xffff  }
0x67: {  	v19 =	vmax.f32 v19, $0.0e+00;
	v17 =	vmul.f32 $5.115000000e+02, v17;
	v22 =	vtrunc.f32 v8;
	v32 =	vld.idx.msk [tilespmem:v32+s22+$0x0], $0xffff  }
0x68: {  	v35 =	vcvt.f32.s32 v22;
	v22 =	vmul.f32 $5.115000000e+02, v15;
	v15 =	vmax.f32 v12, $0.0e+00;
	v12 =	vld.idx.msk [tilespmem:v21+s23+$0x0], $0xffff  }
0x69: {  	v36 =	vmax.f32 v27, $0.0e+00;
	v27 =	vmin.f32 v19, $1.022999940e+03;
	v29 =	vld.idx.msk [tilespmem:v21+s22+$0x0], $0xffff;
	v25 =	vmin.f32 v15, $1.022999940e+03  }
0x6a: {  	v17 =	vadd.f32 $5.115000000e+02, v17;
	v18 =	vmul.f32 $5.115000000e+02, v18;
	v15 =	vld.idx.msk [tilespmem:v28+s23+$0x0], $0xffff;
	v23 =	vtrunc.f32 v25  }
0x6b: {  	v20 =	vmax.f32 v20, $0.0e+00;
	v26 =	vadd.f32 $5.115000000e+02, v22;
	v28 =	vld.idx.msk [tilespmem:v28+s22+$0x0], $0xffff;
	v37 =	vcvt.f32.s32 v23  }
0x6c: {  	v14 =	vmul.f32 v10, v14;
	v13 =	vmul.f32 $5.115000000e+02, v13;
	v10 =	vld.idx.msk [tilespmem:v11+s23+$0x0], $0xffff;
	v18 =	vadd.f32 $5.115000000e+02, v18  }
0x6d: {  	v31 =	vmax.f32 v26, $0.0e+00;
	v26 =	vmin.f32 v20, $1.022999940e+03;
	v30 =	vld.idx.msk [tilespmem:v11+s22+$0x0], $0xffff;
	v11 =	vmax.f32 v17, $0.0e+00  }
0x6e: {  	v23 =	vld.idx.msk [tilespmem:v33+s23+$0x0], $0xffff;
	v17 =	vmin.f32 v36, $1.022999940e+03;
	v9 =	vadd.f32 v14, v9;
	v13 =	vadd.f32 $5.115000000e+02, v13  }
0x6f: {  	v22 =	vld.idx.msk [tilespmem:v34+s23+$0x0], $0xffff;
	v19 =	vmin.f32 v31, $1.022999940e+03;
	v40 =	vtrunc.f32 v26;
	v42 =	vtrunc.f32 v17  }
0x70: {  	s2 =	simm.s32 $0x8C40;
	v24 =	vld.idx.msk [tilespmem:v35+s23+$0x0], $0xffff;
	v41 =	vtrunc.f32 v19;
	v20 =	vmax.f32 v13, $0.0e+00;
	v13 =	vmax.f32 v18, $0.0e+00  }
0x71: {  	[tilespmem:s2+$0x30] =	vst v9;
	v9 =	vcvt.f32.s32 v42;
	v31 =	vmin.f32 v13, $1.022999940e+03;
	v13 =	vmin.f32 v11, $1.022999940e+03;
	v36 =	vld.idx.msk [tilespmem:v37+s23+$0x0], $0xffff  }
0x72: {  	v33 =	vld.idx.msk [tilespmem:v33+s22+$0x0], $0xffff;
	v11 =	vtrunc.f32 v27;
	v18 =	vmin.f32 v20, $1.022999940e+03;
	v20 =	vcvt.f32.s32 v40  }
0x73: {  	v21 =	vtrunc.f32 v31;
	v38 =	vtrunc.f32 v13;
	v37 =	vld.idx.msk [tilespmem:v37+s22+$0x0], $0xffff  }
0x74: {  	v34 =	vld.idx.msk [tilespmem:v34+s22+$0x0], $0xffff;
	v39 =	vtrunc.f32 v18;
	v14 =	vcvt.f32.s32 v11  }
0x75: {  	s0 =	simm.s32 $0x8C40;
	s3 =	simm.s32 $0x8;
	s8 =	simm.s32 $0xD40;
	v35 =	vld.idx.msk [tilespmem:v35+s22+$0x0], $0xffff;
	v11 =	vcvt.f32.s32 v41;
	v21 =	vcvt.f32.s32 v21  }
.LBB2_4:
0x76: {  	v40 =	vld [tilespmem:s8+$0x30];
	s3 =	sadd.s32 $0x8, s3;
	v41 =	vcvt.f32.s32 v38;
	v25 =	vmul.f32 v25, v36  }
0x77: {  	v42 =	vcvt.f32.s32 v39;
	v10 =	vmul.f32 v3, v10;
	v3 =	vmov v31;
	v36 =	vld [tilespmem:s8+$0xFFFFFFD0];
	p0 =	slt.u32 s3, $0x3F8  }
0x78: {  	v12 =	vmul.f32 v2, v12;
	v15 =	vmul.f32 v4, v15;
	v2 =	vmovc v26;
	v31 =	vld [tilespmem:s8+$0xFFFFFFE0];
	v25 =	vadd.f32 v25, v37  }
0x79: {  	s2 =	sadd.s32 $0x80, s2;
	v4 =	vmovc v27;
	v10 =	vadd.f32 v10, v30;
	v30 =	vmul.f32 v5, v16;
	v37 =	vmul.f32 v6, v23;
	v26 =	vld [tilespmem:s8+$0xFFFFFFF0]  }
0x7a: {  	v38 =	vmul.f32 v8, v24;
	v12 =	vadd.f32 v12, v29;
	v29 =	vmul.f32 v7, v22;
	v16 =	vld [tilespmem:s8+$0x0];
	[tilespmem:s2+$0x30] =	vst v25  }
0x7b: {  	v5 =	vmovc v19;
	v22 =	vld [tilespmem:s8+$0x10];
	v23 =	vmul.f32 $5.115000000e+02, v40;
	[tilespmem:s0+$0xFFFFFFC0] =	vst v10;
	v10 =	vadd.f32 v15, v28;
	v15 =	vadd.f32 v30, v32  }
0x7c: {  	v6 =	vmovc v17;
	v25 =	vadd.f32 v37, v33;
	v27 =	vadd.f32 v29, v34;
	v19 =	vmul.f32 $5.115000000e+02, v36;
	v24 =	vld [tilespmem:s8+$0x20];
	[tilespmem:s0+$0xFFFFFFD0] =	vst v12  }
0x7d: {  	v8 =	vmovc v18;
	v7 =	vmovc v13;
	v28 =	vadd.f32 v38, v35;
	v17 =	vld [tilespmem:s8+$0xFFFFFFC0];
	v12 =	vmul.f32 $5.115000000e+02, v31;
	v23 =	vadd.f32 $5.115000000e+02, v23;
	[tilespmem:s0+$0xFFFFFFE0] =	vst v10  }
0x7e: {  	v13 =	vadd.f32 $5.115000000e+02, v19;
	v18 =	vmul.f32 $5.115000000e+02, v26;
	v10 =	vld.idx.msk [tilespmem:v21+s23+$0x0], $0xffff;
	[tilespmem:s0+$0xFFFFFFF0] =	vst v15  }
0x7f: {  	v19 =	vadd.f32 $5.115000000e+02, v12;
	v16 =	vmul.f32 $5.115000000e+02, v16;
	v15 =	vmax.f32 v23, $0.0e+00;
	v12 =	vld.idx.msk [tilespmem:v20+s23+$0x0], $0xffff;
	[tilespmem:s0+$0x0] =	vst v25  }
0x80: {  	v18 =	vadd.f32 $5.115000000e+02, v18;
	v22 =	vmul.f32 $5.115000000e+02, v22;
	v25 =	vmin.f32 v15, $1.022999940e+03;
	v15 =	vld.idx.msk [tilespmem:v14+s23+$0x0], $0xffff;
	[tilespmem:s0+$0x10] =	vst v27  }
0x81: {  	v26 =	vadd.f32 $5.115000000e+02, v16;
	v24 =	vmul.f32 $5.115000000e+02, v24;
	v23 =	vtrunc.f32 v25;
	v16 =	vld.idx.msk [tilespmem:v11+s23+$0x0], $0xffff;
	[tilespmem:s0+$0x20] =	vst v28;
	s0 =	smov.u32 s2  }
0x82: {  	v17 =	vmul.f32 $5.115000000e+02, v17;
	v27 =	vadd.f32 $5.115000000e+02, v22;
	v33 =	vcvt.f32.s32 v23;
	v23 =	vld.idx.msk [tilespmem:v9+s23+$0x0], $0xffff  }
0x83: {  	v13 =	vmax.f32 v13, $0.0e+00;
	v19 =	vmax.f32 v19, $0.0e+00;
	v28 =	vadd.f32 $5.115000000e+02, v24;
	v22 =	vld.idx.msk [tilespmem:v41+s23+$0x0], $0xffff  }
0x84: {  	v18 =	vmax.f32 v18, $0.0e+00;
	v32 =	vmax.f32 v26, $0.0e+00;
	v17 =	vadd.f32 $5.115000000e+02, v17;
	v24 =	vld.idx.msk [tilespmem:v42+s23+$0x0], $0xffff  }
0x85: {  	v26 =	vmin.f32 v13, $1.022999940e+03;
	v13 =	vmax.f32 v27, $0.0e+00;
	v34 =	vmax.f32 v28, $0.0e+00;
	v30 =	vld.idx.msk [tilespmem:v21+s22+$0x0], $0xffff  }
0x86: {  	v27 =	vmin.f32 v19, $1.022999940e+03;
	v19 =	vmin.f32 v18, $1.022999940e+03;
	v17 =	vmax.f32 v17, $0.0e+00;
	v29 =	vld.idx.msk [tilespmem:v20+s22+$0x0], $0xffff  }
0x87: {  	v13 =	vmin.f32 v13, $1.022999940e+03;
	v31 =	vmin.f32 v17, $1.022999940e+03;
	v17 =	vmin.f32 v32, $1.022999940e+03;
	v28 =	vld.idx.msk [tilespmem:v14+s22+$0x0], $0xffff  }
0x88: {  	v20 =	vtrunc.f32 v26;
	v18 =	vmin.f32 v34, $1.022999940e+03;
	v14 =	vtrunc.f32 v31;
	v36 =	vld.idx.msk [tilespmem:v33+s23+$0x0], $0xffff  }
.Ltmp1:
0x89: {  	v35 =	vtrunc.f32 v19;
	v34 =	vtrunc.f32 v27;
	v32 =	vld.idx.msk [tilespmem:v11+s22+$0x0], $0xffff;
	(pc) =	sbr.rel @p0 .LBB2_4-.Ltmp1, $4  }
0x8a: {  	v38 =	vtrunc.f32 v13;
	v40 =	vtrunc.f32 v17;
	v37 =	vld.idx.msk [tilespmem:v33+s22+$0x0], $0xffff  }
0x8b: {  	v39 =	vtrunc.f32 v18;
	v21 =	vcvt.f32.s32 v14;
	v33 =	vld.idx.msk [tilespmem:v9+s22+$0x0], $0xffff  }
0x8c: {  	v20 =	vcvt.f32.s32 v20;
	v14 =	vcvt.f32.s32 v34;
	v34 =	vld.idx.msk [tilespmem:v41+s22+$0x0], $0xffff  }
0x8d: {  	s8 =	sadd.s32 $0x80, s8;
	v11 =	vcvt.f32.s32 v35;
	v9 =	vcvt.f32.s32 v40;
	v35 =	vld.idx.msk [tilespmem:v42+s22+$0x0], $0xffff  }
0x8e: {  	_ =	sdelay $0x3  }
0x8f: {  	v40 =	vld.idx.msk [tilespmem:v21+s23+$0x0], $0xffff  }
0x90: {  	v41 =	vld.idx.msk [tilespmem:v20+s23+$0x0], $0xffff;
	v3 =	vmul.f32 v3, v10  }
0x91: {  	v38 =	vcvt.f32.s32 v38;
	v55 =	vld.idx.msk [tilespmem:v14+s23+$0x0], $0xffff;
	v2 =	vmul.f32 v2, v12  }
0x92: {  	v4 =	vmul.f32 v4, v15;
	v5 =	vmul.f32 v5, v16;
	v10 =	vld.idx.msk [tilespmem:v11+s23+$0x0], $0xffff;
	v3 =	vadd.f32 v3, v30  }
0x93: {  	v6 =	vmul.f32 v6, v23;
	v12 =	vld.idx.msk [tilespmem:v9+s23+$0x0], $0xffff;
	v2 =	vadd.f32 v2, v29  }
0x94: {  	v39 =	vcvt.f32.s32 v39;
	v5 =	vadd.f32 v5, v32;
	[tilespmem:s0+$0xFFFFFFC0] =	vst v3;
	v3 =	vadd.f32 v4, v28;
	v4 =	vld.idx.msk [tilespmem:v21+s22+$0x0], $0xffff  }
0x95: {  	v6 =	vadd.f32 v6, v33;
	[tilespmem:s0+$0xFFFFFFD0] =	vst v2;
	v2 =	vld.idx.msk [tilespmem:v20+s22+$0x0], $0xffff  }
0x96: {  	v25 =	vmul.f32 v25, v36;
	[tilespmem:s0+$0xFFFFFFF0] =	vst v5;
	v5 =	vld.idx.msk [tilespmem:v11+s22+$0x0], $0xffff  }
0x97: {  	v7 =	vmul.f32 v7, v22;
	[tilespmem:s0+$0x0] =	vst v6;
	v6 =	vld.idx.msk [tilespmem:v9+s22+$0x0], $0xffff  }
0x98: {  	v8 =	vmul.f32 v8, v24;
	v25 =	vadd.f32 v25, v37;
	v15 =	vld.idx.msk [tilespmem:v38+s23+$0x0], $0xffff  }
0x99: {  	s2 =	sadd.s32 $0x80, s2;
	v7 =	vadd.f32 v7, v34;
	v11 =	vmul.f32 v31, v40;
	[tilespmem:s0+$0xFFFFFFE0] =	vst v3;
	v3 =	vld.idx.msk [tilespmem:v14+s22+$0x0], $0xffff  }
0x9a: {  	[tilespmem:s2+$0x30] =	vst v25;
	v8 =	vadd.f32 v8, v35;
	v9 =	vmul.f32 v26, v41;
	v16 =	vld.idx.msk [tilespmem:v39+s23+$0x0], $0xffff  }
0x9b: {  	[tilespmem:s0+$0x10] =	vst v7;
	v7 =	vld.idx.msk [tilespmem:v38+s22+$0x0], $0xffff;
	v10 =	vmul.f32 v19, v10;
	v4 =	vadd.f32 v11, v4  }
0x9c: {  	v14 =	vmul.f32 v27, v55;
	[tilespmem:s0+$0x20] =	vst v8;
	v8 =	vld.idx.msk [tilespmem:v39+s22+$0x0], $0xffff;
	v2 =	vadd.f32 v9, v2  }
0x9d: {  	v9 =	vmul.f32 v17, v12;
	v5 =	vadd.f32 v10, v5;
	[tilespmem:s2+$0xFFFFFFC0] =	vst v4  }
0x9e: {  	v3 =	vadd.f32 v14, v3;
	v4 =	vmul.f32 v13, v15;
	[tilespmem:s2+$0xFFFFFFD0] =	vst v2  }
0x9f: {  	v2 =	vmul.f32 v18, v16;
	v6 =	vadd.f32 v9, v6;
	[tilespmem:s2+$0xFFFFFFF0] =	vst v5  }
0xa0: {  	[tilespmem:s2+$0xFFFFFFE0] =	vst v3;
	v3 =	vadd.f32 v4, v7  }
0xa1: {  	v2 =	vadd.f32 v2, v8;
	[tilespmem:s2+$0x0] =	vst v6  }
0xa2: {  	[tilespmem:s2+$0x10] =	vst v3  }
0xa3: {  	[tilespmem:s2+$0x20] =	vst v2  }
0xa4: {  	[hbm4b:s9+s5] =	stream.linear.scatter [tilespmem:s24], [sflag:$0x3], $0x4000, $0x38;
	[tilespmem:$0x10C00] =	vst v63  }
0xa5: {  	s0 =	rddreg [dreg:$0x5]  }
0xa6: {  	[tilespmem:s18], [sflag:$0x1] =	stream.linear.gather [hbm4b:s0+s5], $0x4000, $0x38;
	[tilespmem:$0x10C00] =	vst v63  }
0xa7: {  	_ =	swait.ge [sflag:s25], $0x4000  }
0xa8: {  	[sflag:s25] =	ssyncset.done $0x0  }
0xa9: {  	s17 =	simm.s32 $0x4C40;
	[sflag:s25] =	ssyncadd.s32 $0xFFFFC000  }
0xaa: {  	v2 =	vld [tilespmem:s17+$0x30]  }
0xab: {  	v5 =	vld [tilespmem:s17+$0xFFFFFFF0]  }
0xac: {  	s31 =	simm.s32 $0x4CC0;
	v3 =	vld [tilespmem:s17+$0xFFFFFFD0]  }
0xad: {  	v19 =	vld [tilespmem:s31+$0xFFFFFFE0]  }
0xae: {  	v23 =	vld [tilespmem:s31+$0x0]  }
0xaf: {  	v4 =	vld [tilespmem:s17+$0xFFFFFFE0];
	v2 =	vmul.f32 $5.115000000e+02, v2  }
0xb0: {  	v6 =	vld [tilespmem:s17+$0x0];
	v5 =	vmul.f32 $5.115000000e+02, v5  }
0xb1: {  	v7 =	vld [tilespmem:s17+$0x10];
	v3 =	vmul.f32 $5.115000000e+02, v3;
	v2 =	vadd.f32 $5.115000000e+02, v2  }
0xb2: {  	v8 =	vld [tilespmem:s17+$0xFFFFFFC0];
	v19 =	vmul.f32 $5.115000000e+02, v19;
	v5 =	vadd.f32 $5.115000000e+02, v5  }
0xb3: {  	v9 =	vld [tilespmem:s17+$0x20];
	v24 =	vmul.f32 $5.115000000e+02, v23;
	v3 =	vadd.f32 $5.115000000e+02, v3;
	v2 =	vmax.f32 v2, $0.0e+00  }
0xb4: {  	v19 =	vadd.f32 $5.115000000e+02, v19;
	v5 =	vmax.f32 v5, $0.0e+00;
	v10 =	vmin.f32 v2, $1.022999940e+03  }
0xb5: {  	v2 =	vmul.f32 $5.115000000e+02, v4;
	v5 =	vmin.f32 v5, $1.022999940e+03;
	v4 =	vtrunc.f32 v10  }
0xb6: {  	v27 =	vadd.f32 $5.115000000e+02, v24;
	v17 =	vtrunc.f32 v5;
	v11 =	vcvt.f32.s32 v4  }
0xb7: {  	v3 =	vmax.f32 v3, $0.0e+00;
	v4 =	vmul.f32 $5.115000000e+02, v6;
	v6 =	vmul.f32 $5.115000000e+02, v7  }
0xb8: {  	v2 =	vadd.f32 $5.115000000e+02, v2;
	v7 =	vmul.f32 $5.115000000e+02, v8;
	v8 =	vmul.f32 $5.115000000e+02, v9  }
0xb9: {  	v56 =	vcvt.f32.s32 v17;
	v17 =	vld [tilespmem:s31+$0x10];
	v4 =	vadd.f32 $5.115000000e+02, v4;
	v6 =	vadd.f32 $5.115000000e+02, v6  }
0xba: {  	v16 =	vld [tilespmem:s31+$0x30];
	v9 =	vmax.f32 v2, $0.0e+00;
	v7 =	vadd.f32 $5.115000000e+02, v7;
	v2 =	vmin.f32 v3, $1.022999940e+03  }
0xbb: {  	v18 =	vld [tilespmem:s31+$0xFFFFFFD0];
	v19 =	vmax.f32 v19, $0.0e+00;
	v8 =	vadd.f32 $5.115000000e+02, v8;
	v15 =	vtrunc.f32 v2  }
0xbc: {  	v12 =	vmax.f32 v4, $0.0e+00;
	v13 =	vmax.f32 v6, $0.0e+00;
	v3 =	vmax.f32 v7, $0.0e+00  }
0xbd: {  	v4 =	vmin.f32 v9, $1.022999940e+03;
	v21 =	vcvt.f32.s32 v15;
	v15 =	vld [tilespmem:s31+$0xFFFFFFF0];
	v3 =	vmin.f32 v3, $1.022999940e+03  }
0xbe: {  	v6 =	vmin.f32 v12, $1.022999940e+03;
	v12 =	vtrunc.f32 v4;
	v17 =	vmul.f32 $5.115000000e+02, v17;
	v14 =	vld.idx.msk [tilespmem:v11+s23+$0x0], $0xffff  }
0xbf: {  	v8 =	vmax.f32 v8, $0.0e+00;
	v9 =	vld.idx.msk [tilespmem:v11+s22+$0x0], $0xffff;
	v11 =	vtrunc.f32 v3;
	v28 =	vcvt.f32.s32 v12  }
0xc0: {  	v7 =	vmin.f32 v13, $1.022999940e+03;
	v12 =	vmul.f32 $5.115000000e+02, v16;
	v16 =	vmul.f32 $5.115000000e+02, v18;
	v18 =	vld [tilespmem:s31+$0xFFFFFFC0]  }
0xc1: {  	v8 =	vmin.f32 v8, $1.022999940e+03;
	v13 =	vtrunc.f32 v6;
	v20 =	vtrunc.f32 v7;
	v32 =	vld.idx.msk [tilespmem:v56+s22+$0x0], $0xffff  }
0xc2: {  	v11 =	vcvt.f32.s32 v11;
	v57 =	vcvt.f32.s32 v13;
	v13 =	vld [tilespmem:s31+$0x20];
	v12 =	vadd.f32 $5.115000000e+02, v12  }
0xc3: {  	v22 =	vtrunc.f32 v8;
	v58 =	vcvt.f32.s32 v20;
	v20 =	vadd.f32 $5.115000000e+02, v16;
	v16 =	vld.idx.msk [tilespmem:v56+s23+$0x0], $0xffff  }
0xc4: {  	v59 =	vcvt.f32.s32 v22;
	v22 =	vmul.f32 $5.115000000e+02, v15;
	v15 =	vmax.f32 v12, $0.0e+00;
	v12 =	vld.idx.msk [tilespmem:v21+s23+$0x0], $0xffff  }
0xc5: {  	v61 =	vmax.f32 v27, $0.0e+00;
	v27 =	vmin.f32 v19, $1.022999940e+03;
	v29 =	vld.idx.msk [tilespmem:v21+s22+$0x0], $0xffff;
	v25 =	vmin.f32 v15, $1.022999940e+03  }
0xc6: {  	v17 =	vadd.f32 $5.115000000e+02, v17;
	v18 =	vmul.f32 $5.115000000e+02, v18;
	v15 =	vld.idx.msk [tilespmem:v28+s23+$0x0], $0xffff;
	v23 =	vtrunc.f32 v25  }
0xc7: {  	v20 =	vmax.f32 v20, $0.0e+00;
	v26 =	vadd.f32 $5.115000000e+02, v22;
	v28 =	vld.idx.msk [tilespmem:v28+s22+$0x0], $0xffff;
	v60 =	vcvt.f32.s32 v23  }
0xc8: {  	v14 =	vmul.f32 v10, v14;
	v13 =	vmul.f32 $5.115000000e+02, v13;
	v10 =	vld.idx.msk [tilespmem:v11+s23+$0x0], $0xffff;
	v18 =	vadd.f32 $5.115000000e+02, v18  }
0xc9: {  	v31 =	vmax.f32 v26, $0.0e+00;
	v26 =	vmin.f32 v20, $1.022999940e+03;
	v30 =	vld.idx.msk [tilespmem:v11+s22+$0x0], $0xffff;
	v11 =	vmax.f32 v17, $0.0e+00  }
0xca: {  	v23 =	vld.idx.msk [tilespmem:v57+s23+$0x0], $0xffff;
	v17 =	vmin.f32 v61, $1.022999940e+03;
	v9 =	vadd.f32 v14, v9;
	v13 =	vadd.f32 $5.115000000e+02, v13  }
0xcb: {  	v22 =	vld.idx.msk [tilespmem:v58+s23+$0x0], $0xffff;
	v19 =	vmin.f32 v31, $1.022999940e+03;
	v62 =	vtrunc.f32 v26;
	v42 =	vtrunc.f32 v17  }
0xcc: {  	s2 =	simm.s32 $0xCC40;
	v24 =	vld.idx.msk [tilespmem:v59+s23+$0x0], $0xffff;
	v63 =	vtrunc.f32 v19;
	v20 =	vmax.f32 v13, $0.0e+00;
	v13 =	vmax.f32 v18, $0.0e+00  }
0xcd: {  	[tilespmem:s2+$0x30] =	vst v9;
	v9 =	vcvt.f32.s32 v42;
	v31 =	vmin.f32 v13, $1.022999940e+03;
	v13 =	vmin.f32 v11, $1.022999940e+03;
	v36 =	vld.idx.msk [tilespmem:v60+s23+$0x0], $0xffff  }
0xce: {  	v33 =	vld.idx.msk [tilespmem:v57+s22+$0x0], $0xffff;
	v11 =	vtrunc.f32 v27;
	v18 =	vmin.f32 v20, $1.022999940e+03;
	v20 =	vcvt.f32.s32 v62  }
0xcf: {  	v21 =	vtrunc.f32 v31;
	v38 =	vtrunc.f32 v13;
	v37 =	vld.idx.msk [tilespmem:v60+s22+$0x0], $0xffff  }
0xd0: {  	v34 =	vld.idx.msk [tilespmem:v58+s22+$0x0], $0xffff;
	v39 =	vtrunc.f32 v18;
	v14 =	vcvt.f32.s32 v11  }
0xd1: {  	s3 =	simm.s32 $0x8;
	s8 =	simm.s32 $0x4D40;
	s0 =	simm.s32 $0xCC40;
	v35 =	vld.idx.msk [tilespmem:v59+s22+$0x0], $0xffff;
	v11 =	vcvt.f32.s32 v63;
	v21 =	vcvt.f32.s32 v21  }
.LBB2_6:
0xd2: {  	v40 =	vld [tilespmem:s8+$0x30];
	s3 =	sadd.s32 $0x8, s3;
	v41 =	vcvt.f32.s32 v38;
	v25 =	vmul.f32 v25, v36  }
0xd3: {  	v42 =	vcvt.f32.s32 v39;
	v10 =	vmul.f32 v3, v10;
	v3 =	vmov v31;
	v36 =	vld [tilespmem:s8+$0xFFFFFFD0];
	p0 =	slt.u32 s3, $0x3F8  }
0xd4: {  	v12 =	vmul.f32 v2, v12;
	v15 =	vmul.f32 v4, v15;
	v2 =	vmovc v26;
	v31 =	vld [tilespmem:s8+$0xFFFFFFE0];
	v25 =	vadd.f32 v25, v37  }
0xd5: {  	s2 =	sadd.s32 $0x80, s2;
	v4 =	vmovc v27;
	v10 =	vadd.f32 v10, v30;
	v30 =	vmul.f32 v5, v16;
	v37 =	vmul.f32 v6, v23;
	v26 =	vld [tilespmem:s8+$0xFFFFFFF0]  }
0xd6: {  	v38 =	vmul.f32 v8, v24;
	v12 =	vadd.f32 v12, v29;
	v29 =	vmul.f32 v7, v22;
	v16 =	vld [tilespmem:s8+$0x0];
	[tilespmem:s2+$0x30] =	vst v25  }
0xd7: {  	v5 =	vmovc v19;
	v22 =	vld [tilespmem:s8+$0x10];
	v23 =	vmul.f32 $5.115000000e+02, v40;
	[tilespmem:s0+$0xFFFFFFC0] =	vst v10;
	v10 =	vadd.f32 v15, v28;
	v15 =	vadd.f32 v30, v32  }
0xd8: {  	v6 =	vmovc v17;
	v25 =	vadd.f32 v37, v33;
	v27 =	vadd.f32 v29, v34;
	v19 =	vmul.f32 $5.115000000e+02, v36;
	v24 =	vld [tilespmem:s8+$0x20];
	[tilespmem:s0+$0xFFFFFFD0] =	vst v12  }
0xd9: {  	v8 =	vmovc v18;
	v7 =	vmovc v13;
	v28 =	vadd.f32 v38, v35;
	v17 =	vld [tilespmem:s8+$0xFFFFFFC0];
	v12 =	vmul.f32 $5.115000000e+02, v31;
	v23 =	vadd.f32 $5.115000000e+02, v23;
	[tilespmem:s0+$0xFFFFFFE0] =	vst v10  }
0xda: {  	v13 =	vadd.f32 $5.115000000e+02, v19;
	v18 =	vmul.f32 $5.115000000e+02, v26;
	v10 =	vld.idx.msk [tilespmem:v21+s23+$0x0], $0xffff;
	[tilespmem:s0+$0xFFFFFFF0] =	vst v15  }
0xdb: {  	v19 =	vadd.f32 $5.115000000e+02, v12;
	v16 =	vmul.f32 $5.115000000e+02, v16;
	v15 =	vmax.f32 v23, $0.0e+00;
	v12 =	vld.idx.msk [tilespmem:v20+s23+$0x0], $0xffff;
	[tilespmem:s0+$0x0] =	vst v25  }
0xdc: {  	v18 =	vadd.f32 $5.115000000e+02, v18;
	v22 =	vmul.f32 $5.115000000e+02, v22;
	v25 =	vmin.f32 v15, $1.022999940e+03;
	v15 =	vld.idx.msk [tilespmem:v14+s23+$0x0], $0xffff;
	[tilespmem:s0+$0x10] =	vst v27  }
0xdd: {  	v26 =	vadd.f32 $5.115000000e+02, v16;
	v24 =	vmul.f32 $5.115000000e+02, v24;
	v23 =	vtrunc.f32 v25;
	v16 =	vld.idx.msk [tilespmem:v11+s23+$0x0], $0xffff;
	[tilespmem:s0+$0x20] =	vst v28;
	s0 =	smov.u32 s2  }
0xde: {  	v17 =	vmul.f32 $5.115000000e+02, v17;
	v27 =	vadd.f32 $5.115000000e+02, v22;
	v33 =	vcvt.f32.s32 v23;
	v23 =	vld.idx.msk [tilespmem:v9+s23+$0x0], $0xffff  }
0xdf: {  	v13 =	vmax.f32 v13, $0.0e+00;
	v19 =	vmax.f32 v19, $0.0e+00;
	v28 =	vadd.f32 $5.115000000e+02, v24;
	v22 =	vld.idx.msk [tilespmem:v41+s23+$0x0], $0xffff  }
0xe0: {  	v18 =	vmax.f32 v18, $0.0e+00;
	v32 =	vmax.f32 v26, $0.0e+00;
	v17 =	vadd.f32 $5.115000000e+02, v17;
	v24 =	vld.idx.msk [tilespmem:v42+s23+$0x0], $0xffff  }
0xe1: {  	v26 =	vmin.f32 v13, $1.022999940e+03;
	v13 =	vmax.f32 v27, $0.0e+00;
	v34 =	vmax.f32 v28, $0.0e+00;
	v30 =	vld.idx.msk [tilespmem:v21+s22+$0x0], $0xffff  }
0xe2: {  	v27 =	vmin.f32 v19, $1.022999940e+03;
	v19 =	vmin.f32 v18, $1.022999940e+03;
	v17 =	vmax.f32 v17, $0.0e+00;
	v29 =	vld.idx.msk [tilespmem:v20+s22+$0x0], $0xffff  }
0xe3: {  	v13 =	vmin.f32 v13, $1.022999940e+03;
	v31 =	vmin.f32 v17, $1.022999940e+03;
	v17 =	vmin.f32 v32, $1.022999940e+03;
	v28 =	vld.idx.msk [tilespmem:v14+s22+$0x0], $0xffff  }
0xe4: {  	v20 =	vtrunc.f32 v26;
	v18 =	vmin.f32 v34, $1.022999940e+03;
	v14 =	vtrunc.f32 v31;
	v36 =	vld.idx.msk [tilespmem:v33+s23+$0x0], $0xffff  }
.Ltmp2:
0xe5: {  	v35 =	vtrunc.f32 v19;
	v34 =	vtrunc.f32 v27;
	v32 =	vld.idx.msk [tilespmem:v11+s22+$0x0], $0xffff;
	(pc) =	sbr.rel @p0 .LBB2_6-.Ltmp2, $4  }
0xe6: {  	v38 =	vtrunc.f32 v13;
	v40 =	vtrunc.f32 v17;
	v37 =	vld.idx.msk [tilespmem:v33+s22+$0x0], $0xffff  }
0xe7: {  	v39 =	vtrunc.f32 v18;
	v21 =	vcvt.f32.s32 v14;
	v33 =	vld.idx.msk [tilespmem:v9+s22+$0x0], $0xffff  }
0xe8: {  	v20 =	vcvt.f32.s32 v20;
	v14 =	vcvt.f32.s32 v34;
	v34 =	vld.idx.msk [tilespmem:v41+s22+$0x0], $0xffff  }
0xe9: {  	s8 =	sadd.s32 $0x80, s8;
	v11 =	vcvt.f32.s32 v35;
	v9 =	vcvt.f32.s32 v40;
	v35 =	vld.idx.msk [tilespmem:v42+s22+$0x0], $0xffff  }
0xea: {  	_ =	sdelay $0x3  }
0xeb: {  	v40 =	vld.idx.msk [tilespmem:v21+s23+$0x0], $0xffff  }
0xec: {  	v41 =	vld.idx.msk [tilespmem:v20+s23+$0x0], $0xffff  }
0xed: {  	v25 =	vmul.f32 v25, v36;
	v49 =	vld.idx.msk [tilespmem:v14+s23+$0x0], $0xffff  }
0xee: {  	v38 =	vcvt.f32.s32 v38;
	v3 =	vmul.f32 v3, v10;
	v54 =	vld.idx.msk [tilespmem:v21+s22+$0x0], $0xffff  }
0xef: {  	v2 =	vmul.f32 v2, v12;
	v50 =	vld.idx.msk [tilespmem:v11+s23+$0x0], $0xffff;
	v25 =	vadd.f32 v25, v37  }
0xf0: {  	v39 =	vcvt.f32.s32 v39;
	s2 =	sadd.s32 $0x80, s2;
	v5 =	vmul.f32 v5, v16;
	v51 =	vld.idx.msk [tilespmem:v9+s23+$0x0], $0xffff;
	v3 =	vadd.f32 v3, v30  }
0xf1: {  	v4 =	vmul.f32 v4, v15;
	v55 =	vld.idx.msk [tilespmem:v11+s22+$0x0], $0xffff;
	v2 =	vadd.f32 v2, v29;
	[tilespmem:s2+$0x30] =	vst v25  }
0xf2: {  	v6 =	vmul.f32 v6, v23;
	v57 =	vld.idx.msk [tilespmem:v9+s22+$0x0], $0xffff;
	v5 =	vadd.f32 v5, v32;
	[tilespmem:s0+$0xFFFFFFC0] =	vst v3  }
0xf3: {  	v7 =	vmul.f32 v7, v22;
	v3 =	vadd.f32 v4, v28;
	[tilespmem:s0+$0xFFFFFFD0] =	vst v2;
	v2 =	vld.idx.msk [tilespmem:v20+s22+$0x0], $0xffff  }
0xf4: {  	v8 =	vmul.f32 v8, v24;
	v6 =	vadd.f32 v6, v33;
	[tilespmem:s0+$0xFFFFFFF0] =	vst v5;
	v52 =	vld.idx.msk [tilespmem:v38+s23+$0x0], $0xffff  }
0xf5: {  	v7 =	vadd.f32 v7, v34;
	v56 =	vmul.f32 v31, v40;
	[tilespmem:s0+$0xFFFFFFE0] =	vst v3;
	v3 =	vld.idx.msk [tilespmem:v14+s22+$0x0], $0xffff  }
0xf6: {  	v8 =	vadd.f32 v8, v35;
	[tilespmem:s0+$0x0] =	vst v6;
	v53 =	vld.idx.msk [tilespmem:v39+s23+$0x0], $0xffff;
	v10 =	vmul.f32 v19, v50  }
0xf7: {  	v58 =	vmul.f32 v26, v41;
	[tilespmem:s0+$0x10] =	vst v7;
	v59 =	vld.idx.msk [tilespmem:v38+s22+$0x0], $0xffff;
	v4 =	vadd.f32 v56, v54  }
0xf8: {  	v60 =	vmul.f32 v27, v49;
	[tilespmem:s0+$0x20] =	vst v8;
	v61 =	vld.idx.msk [tilespmem:v39+s22+$0x0], $0xffff;
	v5 =	vadd.f32 v10, v55  }
0xf9: {  	v62 =	vmul.f32 v17, v51;
	v2 =	vadd.f32 v58, v2;
	[tilespmem:s2+$0xFFFFFFC0] =	vst v4  }
0xfa: {  	[tilespmem:s2+$0xFFFFFFF0] =	vst v5;
	v3 =	vadd.f32 v60, v3;
	v63 =	vmul.f32 v13, v52  }
0xfb: {  	v6 =	vadd.f32 v62, v57;
	[tilespmem:s2+$0xFFFFFFD0] =	vst v2;
	v2 =	vmul.f32 v18, v53  }
0xfc: {  	[tilespmem:s2+$0xFFFFFFE0] =	vst v3;
	v3 =	vadd.f32 v63, v59  }
0xfd: {  	[tilespmem:s2+$0x0] =	vst v6;
	v2 =	vadd.f32 v2, v61  }
0xfe: {  	[tilespmem:s2+$0x10] =	vst v3  }
0xff: {  	[tilespmem:s2+$0x20] =	vst v2  }
0x100: {  	s0 =	rddreg [dreg:$0x6]  }
0x101: {  	[hbm4b:s0+s5] =	stream.linear.scatter [tilespmem:s26], [sflag:$0x4], $0x4000, $0x38;
	[tilespmem:$0x10C00] =	vst v63  }
0x102: {  	s31 =	simm.s32 $0x1;
	s17 =	rddreg [dreg:$0x7]  }
0x103: {  	[tilespmem:s19], [sflag:$0x2] =	stream.linear.gather [hbm4b:s17+s5], $0x4000, $0x38;
	[tilespmem:$0x10C00] =	vst v63  }
.LBB2_8:
0x104: {  	_ =	swait.ge [sflag:s21], $0x4000  }
0x105: {  	[sflag:s21] =	ssyncset.done $0x0  }
0x106: {  	[sflag:s21] =	ssyncadd.s32 $0xFFFFC000  }
0x107: {  	_ =	swait.ge [sflag:s28], $0x4000  }
0x108: {  	[sflag:s28] =	ssyncset.done $0x0  }
0x109: {  	s0 =	simm.s32 $0xC40;
	[sflag:s28] =	ssyncadd.s32 $0xFFFFC000  }
0x10a: {  	v2 =	vld [tilespmem:s0+$0x30]  }
0x10b: {  	v5 =	vld [tilespmem:s0+$0xFFFFFFF0];
	_ =	sdelay $0x1  }
0x10c: {  	s17 =	simm.s32 $0xCC0;
	v3 =	vld [tilespmem:s0+$0xFFFFFFD0]  }
0x10d: {  	v19 =	vld [tilespmem:s17+$0xFFFFFFE0]  }
0x10e: {  	v23 =	vld [tilespmem:s17+$0x0]  }
0x10f: {  	v4 =	vld [tilespmem:s0+$0xFFFFFFE0];
	v2 =	vmul.f32 $5.115000000e+02, v2;
	v5 =	vmul.f32 $5.115000000e+02, v5  }
0x110: {  	v6 =	vld [tilespmem:s0+$0x0]  }
0x111: {  	v7 =	vld [tilespmem:s0+$0x10];
	v2 =	vadd.f32 $5.115000000e+02, v2;
	v5 =	vadd.f32 $5.115000000e+02, v5  }
0x112: {  	v8 =	vld [tilespmem:s0+$0xFFFFFFC0];
	v3 =	vmul.f32 $5.115000000e+02, v3;
	v19 =	vmul.f32 $5.115000000e+02, v19  }
0x113: {  	v9 =	vld [tilespmem:s0+$0x20];
	v24 =	vmul.f32 $5.115000000e+02, v23;
	v2 =	vmax.f32 v2, $0.0e+00;
	v5 =	vmax.f32 v5, $0.0e+00  }
0x114: {  	v10 =	vmin.f32 v2, $1.022999940e+03;
	v2 =	vmul.f32 $5.115000000e+02, v4;
	v5 =	vmin.f32 v5, $1.022999940e+03  }
0x115: {  	v3 =	vadd.f32 $5.115000000e+02, v3;
	v4 =	vtrunc.f32 v10;
	v17 =	vtrunc.f32 v5  }
0x116: {  	v19 =	vadd.f32 $5.115000000e+02, v19;
	v11 =	vcvt.f32.s32 v4;
	v4 =	vmul.f32 $5.115000000e+02, v6  }
0x117: {  	v6 =	vmul.f32 $5.115000000e+02, v7;
	v2 =	vadd.f32 $5.115000000e+02, v2;
	v7 =	vmul.f32 $5.115000000e+02, v8  }
0x118: {  	v3 =	vmax.f32 v3, $0.0e+00;
	v8 =	vmul.f32 $5.115000000e+02, v9;
	v32 =	vcvt.f32.s32 v17  }
0x119: {  	v4 =	vadd.f32 $5.115000000e+02, v4;
	v6 =	vadd.f32 $5.115000000e+02, v6;
	v9 =	vmax.f32 v2, $0.0e+00  }
0x11a: {  	v16 =	vld [tilespmem:s17+$0x30];
	v7 =	vadd.f32 $5.115000000e+02, v7;
	v8 =	vadd.f32 $5.115000000e+02, v8;
	v2 =	vmin.f32 v3, $1.022999940e+03  }
0x11b: {  	v18 =	vld [tilespmem:s17+$0xFFFFFFD0];
	v15 =	vtrunc.f32 v2;
	v12 =	vmax.f32 v4, $0.0e+00;
	v13 =	vmax.f32 v6, $0.0e+00  }
0x11c: {  	v17 =	vld [tilespmem:s17+$0x10];
	v3 =	vmax.f32 v7, $0.0e+00;
	v4 =	vmin.f32 v9, $1.022999940e+03;
	v21 =	vcvt.f32.s32 v15  }
0x11d: {  	v3 =	vmin.f32 v3, $1.022999940e+03;
	v6 =	vmin.f32 v12, $1.022999940e+03;
	v12 =	vtrunc.f32 v4;
	v14 =	vld.idx.msk [tilespmem:v11+s23+$0x0], $0xffff  }
0x11e: {  	v7 =	vmin.f32 v13, $1.022999940e+03;
	v9 =	vld.idx.msk [tilespmem:v11+s22+$0x0], $0xffff;
	v11 =	vtrunc.f32 v3;
	v13 =	vtrunc.f32 v6  }
0x11f: {  	v27 =	vadd.f32 $5.115000000e+02, v24;
	v15 =	vld [tilespmem:s17+$0xFFFFFFF0];
	v20 =	vtrunc.f32 v7;
	v28 =	vcvt.f32.s32 v12  }
0x120: {  	v8 =	vmax.f32 v8, $0.0e+00;
	v12 =	vmul.f32 $5.115000000e+02, v16;
	v16 =	vmul.f32 $5.115000000e+02, v18;
	v18 =	vld [tilespmem:s17+$0xFFFFFFC0]  }
0x121: {  	v8 =	vmin.f32 v8, $1.022999940e+03;
	v11 =	vcvt.f32.s32 v11;
	v33 =	vcvt.f32.s32 v13;
	v13 =	vld [tilespmem:s17+$0x20]  }
0x122: {  	v34 =	vcvt.f32.s32 v20;
	v12 =	vadd.f32 $5.115000000e+02, v12;
	v20 =	vadd.f32 $5.115000000e+02, v16;
	v16 =	vld.idx.msk [tilespmem:v32+s23+$0x0], $0xffff  }
0x123: {  	v19 =	vmax.f32 v19, $0.0e+00;
	v17 =	vmul.f32 $5.115000000e+02, v17;
	v22 =	vtrunc.f32 v8;
	v32 =	vld.idx.msk [tilespmem:v32+s22+$0x0], $0xffff  }
0x124: {  	v35 =	vcvt.f32.s32 v22;
	v22 =	vmul.f32 $5.115000000e+02, v15;
	v15 =	vmax.f32 v12, $0.0e+00;
	v12 =	vld.idx.msk [tilespmem:v21+s23+$0x0], $0xffff  }
0x125: {  	v36 =	vmax.f32 v27, $0.0e+00;
	v27 =	vmin.f32 v19, $1.022999940e+03;
	v29 =	vld.idx.msk [tilespmem:v21+s22+$0x0], $0xffff;
	v25 =	vmin.f32 v15, $1.022999940e+03  }
0x126: {  	v17 =	vadd.f32 $5.115000000e+02, v17;
	v18 =	vmul.f32 $5.115000000e+02, v18;
	v15 =	vld.idx.msk [tilespmem:v28+s23+$0x0], $0xffff;
	v23 =	vtrunc.f32 v25  }
0x127: {  	v20 =	vmax.f32 v20, $0.0e+00;
	v26 =	vadd.f32 $5.115000000e+02, v22;
	v28 =	vld.idx.msk [tilespmem:v28+s22+$0x0], $0xffff;
	v37 =	vcvt.f32.s32 v23  }
0x128: {  	v14 =	vmul.f32 v10, v14;
	v13 =	vmul.f32 $5.115000000e+02, v13;
	v10 =	vld.idx.msk [tilespmem:v11+s23+$0x0], $0xffff;
	v18 =	vadd.f32 $5.115000000e+02, v18  }
0x129: {  	v31 =	vmax.f32 v26, $0.0e+00;
	v26 =	vmin.f32 v20, $1.022999940e+03;
	v30 =	vld.idx.msk [tilespmem:v11+s22+$0x0], $0xffff;
	v11 =	vmax.f32 v17, $0.0e+00  }
0x12a: {  	v23 =	vld.idx.msk [tilespmem:v33+s23+$0x0], $0xffff;
	v17 =	vmin.f32 v36, $1.022999940e+03;
	v9 =	vadd.f32 v14, v9;
	v13 =	vadd.f32 $5.115000000e+02, v13  }
0x12b: {  	v22 =	vld.idx.msk [tilespmem:v34+s23+$0x0], $0xffff;
	v19 =	vmin.f32 v31, $1.022999940e+03;
	v40 =	vtrunc.f32 v26;
	v42 =	vtrunc.f32 v17  }
0x12c: {  	s2 =	simm.s32 $0x8C40;
	v24 =	vld.idx.msk [tilespmem:v35+s23+$0x0], $0xffff;
	v41 =	vtrunc.f32 v19;
	v20 =	vmax.f32 v13, $0.0e+00;
	v13 =	vmax.f32 v18, $0.0e+00  }
0x12d: {  	[tilespmem:s2+$0x30] =	vst v9;
	v9 =	vcvt.f32.s32 v42;
	v31 =	vmin.f32 v13, $1.022999940e+03;
	v13 =	vmin.f32 v11, $1.022999940e+03;
	v36 =	vld.idx.msk [tilespmem:v37+s23+$0x0], $0xffff  }
0x12e: {  	v33 =	vld.idx.msk [tilespmem:v33+s22+$0x0], $0xffff;
	v11 =	vtrunc.f32 v27;
	v18 =	vmin.f32 v20, $1.022999940e+03;
	v20 =	vcvt.f32.s32 v40  }
0x12f: {  	v21 =	vtrunc.f32 v31;
	v38 =	vtrunc.f32 v13;
	v37 =	vld.idx.msk [tilespmem:v37+s22+$0x0], $0xffff  }
0x130: {  	v34 =	vld.idx.msk [tilespmem:v34+s22+$0x0], $0xffff;
	v39 =	vtrunc.f32 v18;
	v14 =	vcvt.f32.s32 v11  }
0x131: {  	s3 =	simm.s32 $0x8;
	s8 =	simm.s32 $0xD40;
	s0 =	simm.s32 $0x8C40;
	v35 =	vld.idx.msk [tilespmem:v35+s22+$0x0], $0xffff;
	v11 =	vcvt.f32.s32 v41;
	v21 =	vcvt.f32.s32 v21  }
.LBB2_9:
0x132: {  	v40 =	vld [tilespmem:s8+$0x30];
	s3 =	sadd.s32 $0x8, s3;
	v41 =	vcvt.f32.s32 v38;
	v25 =	vmul.f32 v25, v36  }
0x133: {  	v42 =	vcvt.f32.s32 v39;
	v10 =	vmul.f32 v3, v10;
	v3 =	vmov v31;
	v36 =	vld [tilespmem:s8+$0xFFFFFFD0];
	p0 =	slt.u32 s3, $0x3F8  }
0x134: {  	v12 =	vmul.f32 v2, v12;
	v15 =	vmul.f32 v4, v15;
	v2 =	vmovc v26;
	v31 =	vld [tilespmem:s8+$0xFFFFFFE0];
	v25 =	vadd.f32 v25, v37  }
0x135: {  	s2 =	sadd.s32 $0x80, s2;
	v4 =	vmovc v27;
	v10 =	vadd.f32 v10, v30;
	v30 =	vmul.f32 v5, v16;
	v37 =	vmul.f32 v6, v23;
	v26 =	vld [tilespmem:s8+$0xFFFFFFF0]  }
0x136: {  	v38 =	vmul.f32 v8, v24;
	v12 =	vadd.f32 v12, v29;
	v29 =	vmul.f32 v7, v22;
	v16 =	vld [tilespmem:s8+$0x0];
	[tilespmem:s2+$0x30] =	vst v25  }
0x137: {  	v5 =	vmovc v19;
	v22 =	vld [tilespmem:s8+$0x10];
	v23 =	vmul.f32 $5.115000000e+02, v40;
	[tilespmem:s0+$0xFFFFFFC0] =	vst v10;
	v10 =	vadd.f32 v15, v28;
	v15 =	vadd.f32 v30, v32  }
0x138: {  	v6 =	vmovc v17;
	v25 =	vadd.f32 v37, v33;
	v27 =	vadd.f32 v29, v34;
	v19 =	vmul.f32 $5.115000000e+02, v36;
	v24 =	vld [tilespmem:s8+$0x20];
	[tilespmem:s0+$0xFFFFFFD0] =	vst v12  }
0x139: {  	v8 =	vmovc v18;
	v7 =	vmovc v13;
	v28 =	vadd.f32 v38, v35;
	v17 =	vld [tilespmem:s8+$0xFFFFFFC0];
	v12 =	vmul.f32 $5.115000000e+02, v31;
	v23 =	vadd.f32 $5.115000000e+02, v23;
	[tilespmem:s0+$0xFFFFFFE0] =	vst v10  }
0x13a: {  	v13 =	vadd.f32 $5.115000000e+02, v19;
	v18 =	vmul.f32 $5.115000000e+02, v26;
	v10 =	vld.idx.msk [tilespmem:v21+s23+$0x0], $0xffff;
	[tilespmem:s0+$0xFFFFFFF0] =	vst v15  }
0x13b: {  	v19 =	vadd.f32 $5.115000000e+02, v12;
	v16 =	vmul.f32 $5.115000000e+02, v16;
	v15 =	vmax.f32 v23, $0.0e+00;
	v12 =	vld.idx.msk [tilespmem:v20+s23+$0x0], $0xffff;
	[tilespmem:s0+$0x0] =	vst v25  }
0x13c: {  	v18 =	vadd.f32 $5.115000000e+02, v18;
	v22 =	vmul.f32 $5.115000000e+02, v22;
	v25 =	vmin.f32 v15, $1.022999940e+03;
	v15 =	vld.idx.msk [tilespmem:v14+s23+$0x0], $0xffff;
	[tilespmem:s0+$0x10] =	vst v27  }
0x13d: {  	v26 =	vadd.f32 $5.115000000e+02, v16;
	v24 =	vmul.f32 $5.115000000e+02, v24;
	v23 =	vtrunc.f32 v25;
	v16 =	vld.idx.msk [tilespmem:v11+s23+$0x0], $0xffff;
	[tilespmem:s0+$0x20] =	vst v28;
	s0 =	smov.u32 s2  }
0x13e: {  	v17 =	vmul.f32 $5.115000000e+02, v17;
	v27 =	vadd.f32 $5.115000000e+02, v22;
	v33 =	vcvt.f32.s32 v23;
	v23 =	vld.idx.msk [tilespmem:v9+s23+$0x0], $0xffff  }
0x13f: {  	v13 =	vmax.f32 v13, $0.0e+00;
	v19 =	vmax.f32 v19, $0.0e+00;
	v28 =	vadd.f32 $5.115000000e+02, v24;
	v22 =	vld.idx.msk [tilespmem:v41+s23+$0x0], $0xffff  }
0x140: {  	v18 =	vmax.f32 v18, $0.0e+00;
	v32 =	vmax.f32 v26, $0.0e+00;
	v17 =	vadd.f32 $5.115000000e+02, v17;
	v24 =	vld.idx.msk [tilespmem:v42+s23+$0x0], $0xffff  }
0x141: {  	v26 =	vmin.f32 v13, $1.022999940e+03;
	v13 =	vmax.f32 v27, $0.0e+00;
	v34 =	vmax.f32 v28, $0.0e+00;
	v30 =	vld.idx.msk [tilespmem:v21+s22+$0x0], $0xffff  }
0x142: {  	v27 =	vmin.f32 v19, $1.022999940e+03;
	v19 =	vmin.f32 v18, $1.022999940e+03;
	v17 =	vmax.f32 v17, $0.0e+00;
	v29 =	vld.idx.msk [tilespmem:v20+s22+$0x0], $0xffff  }
0x143: {  	v13 =	vmin.f32 v13, $1.022999940e+03;
	v31 =	vmin.f32 v17, $1.022999940e+03;
	v17 =	vmin.f32 v32, $1.022999940e+03;
	v28 =	vld.idx.msk [tilespmem:v14+s22+$0x0], $0xffff  }
0x144: {  	v20 =	vtrunc.f32 v26;
	v18 =	vmin.f32 v34, $1.022999940e+03;
	v14 =	vtrunc.f32 v31;
	v36 =	vld.idx.msk [tilespmem:v33+s23+$0x0], $0xffff  }
.Ltmp3:
0x145: {  	v35 =	vtrunc.f32 v19;
	v34 =	vtrunc.f32 v27;
	v32 =	vld.idx.msk [tilespmem:v11+s22+$0x0], $0xffff;
	(pc) =	sbr.rel @p0 .LBB2_9-.Ltmp3, $4  }
0x146: {  	v38 =	vtrunc.f32 v13;
	v40 =	vtrunc.f32 v17;
	v37 =	vld.idx.msk [tilespmem:v33+s22+$0x0], $0xffff  }
0x147: {  	v39 =	vtrunc.f32 v18;
	v21 =	vcvt.f32.s32 v14;
	v33 =	vld.idx.msk [tilespmem:v9+s22+$0x0], $0xffff  }
0x148: {  	v20 =	vcvt.f32.s32 v20;
	v14 =	vcvt.f32.s32 v34;
	v34 =	vld.idx.msk [tilespmem:v41+s22+$0x0], $0xffff  }
0x149: {  	s8 =	sadd.s32 $0x80, s8;
	v11 =	vcvt.f32.s32 v35;
	v9 =	vcvt.f32.s32 v40;
	v35 =	vld.idx.msk [tilespmem:v42+s22+$0x0], $0xffff  }
0x14a: {  	_ =	sdelay $0x3  }
0x14b: {  	v40 =	vld.idx.msk [tilespmem:v21+s23+$0x0], $0xffff  }
0x14c: {  	v41 =	vld.idx.msk [tilespmem:v20+s23+$0x0], $0xffff;
	v3 =	vmul.f32 v3, v10  }
0x14d: {  	v38 =	vcvt.f32.s32 v38;
	v55 =	vld.idx.msk [tilespmem:v14+s23+$0x0], $0xffff;
	v2 =	vmul.f32 v2, v12  }
0x14e: {  	v4 =	vmul.f32 v4, v15;
	v5 =	vmul.f32 v5, v16;
	v10 =	vld.idx.msk [tilespmem:v11+s23+$0x0], $0xffff;
	v3 =	vadd.f32 v3, v30  }
0x14f: {  	v6 =	vmul.f32 v6, v23;
	v12 =	vld.idx.msk [tilespmem:v9+s23+$0x0], $0xffff;
	v2 =	vadd.f32 v2, v29  }
0x150: {  	v39 =	vcvt.f32.s32 v39;
	v5 =	vadd.f32 v5, v32;
	[tilespmem:s0+$0xFFFFFFC0] =	vst v3;
	v3 =	vadd.f32 v4, v28;
	v4 =	vld.idx.msk [tilespmem:v21+s22+$0x0], $0xffff  }
0x151: {  	v6 =	vadd.f32 v6, v33;
	[tilespmem:s0+$0xFFFFFFD0] =	vst v2;
	v2 =	vld.idx.msk [tilespmem:v20+s22+$0x0], $0xffff  }
0x152: {  	v25 =	vmul.f32 v25, v36;
	[tilespmem:s0+$0xFFFFFFF0] =	vst v5;
	v5 =	vld.idx.msk [tilespmem:v11+s22+$0x0], $0xffff  }
0x153: {  	v7 =	vmul.f32 v7, v22;
	[tilespmem:s0+$0x0] =	vst v6;
	v6 =	vld.idx.msk [tilespmem:v9+s22+$0x0], $0xffff  }
0x154: {  	v8 =	vmul.f32 v8, v24;
	v25 =	vadd.f32 v25, v37;
	v15 =	vld.idx.msk [tilespmem:v38+s23+$0x0], $0xffff  }
0x155: {  	s3 =	sadd.s32 $0x80, s2;
	v7 =	vadd.f32 v7, v34;
	v11 =	vmul.f32 v31, v40;
	[tilespmem:s0+$0xFFFFFFE0] =	vst v3;
	v3 =	vld.idx.msk [tilespmem:v14+s22+$0x0], $0xffff  }
0x156: {  	[tilespmem:s3+$0x30] =	vst v25;
	v8 =	vadd.f32 v8, v35;
	v9 =	vmul.f32 v26, v41;
	v16 =	vld.idx.msk [tilespmem:v39+s23+$0x0], $0xffff  }
0x157: {  	[tilespmem:s0+$0x10] =	vst v7;
	v7 =	vld.idx.msk [tilespmem:v38+s22+$0x0], $0xffff;
	v10 =	vmul.f32 v19, v10;
	v4 =	vadd.f32 v11, v4  }
0x158: {  	v14 =	vmul.f32 v27, v55;
	[tilespmem:s0+$0x20] =	vst v8;
	v8 =	vld.idx.msk [tilespmem:v39+s22+$0x0], $0xffff;
	v2 =	vadd.f32 v9, v2  }
0x159: {  	v9 =	vmul.f32 v17, v12;
	v5 =	vadd.f32 v10, v5;
	[tilespmem:s3+$0xFFFFFFC0] =	vst v4  }
0x15a: {  	v3 =	vadd.f32 v14, v3;
	v4 =	vmul.f32 v13, v15;
	[tilespmem:s3+$0xFFFFFFD0] =	vst v2  }
0x15b: {  	v2 =	vmul.f32 v18, v16;
	v6 =	vadd.f32 v9, v6;
	[tilespmem:s3+$0xFFFFFFF0] =	vst v5  }
0x15c: {  	s2 =	sshll.u32 s31, $0xF;
	[tilespmem:s3+$0xFFFFFFE0] =	vst v3;
	v3 =	vadd.f32 v4, v7  }
0x15d: {  	s11 =	sor.u32 s6, s2;
	v2 =	vadd.f32 v2, v8;
	[tilespmem:s3+$0x0] =	vst v6  }
0x15e: {  	s15 =	sadd.s32 s2, s13;
	s0 =	sshrl.u32 s11, $0x3;
	[tilespmem:s3+$0x10] =	vst v3  }
0x15f: {  	s12 =	sadd.s32 s4, s0;
	[tilespmem:s3+$0x20] =	vst v2;
	s3 =	sshrl.u32 s15, $0x3  }
0x160: {  	[hbm4b:s12+s5] =	stream.linear.scatter [tilespmem:s24], [sflag:$0x3], $0x4000, $0x38;
	[tilespmem:$0x10C00] =	vst v63  }
0x161: {  	s3 =	sadd.s32 s1, s3  }
0x162: {  	[tilespmem:s18], [sflag:$0x1] =	stream.linear.gather [hbm4b:s3+s5], $0x4000, $0x38;
	[tilespmem:$0x10C00] =	vst v63  }
0x163: {  	_ =	swait.ge [sflag:s25], $0x4000  }
0x164: {  	[sflag:s25] =	ssyncset.done $0x0  }
0x165: {  	[sflag:s25] =	ssyncadd.s32 $0xFFFFC000  }
0x166: {  	_ =	swait.ge [sflag:s29], $0x4000  }
0x167: {  	[sflag:s29] =	ssyncset.done $0x0  }
0x168: {  	s16 =	simm.s32 $0x4C40;
	[sflag:s29] =	ssyncadd.s32 $0xFFFFC000  }
0x169: {  	v2 =	vld [tilespmem:s16+$0x30]  }
0x16a: {  	v5 =	vld [tilespmem:s16+$0xFFFFFFF0]  }
0x16b: {  	s17 =	simm.s32 $0x4CC0;
	v3 =	vld [tilespmem:s16+$0xFFFFFFD0]  }
0x16c: {  	v19 =	vld [tilespmem:s17+$0xFFFFFFE0]  }
0x16d: {  	v23 =	vld [tilespmem:s17+$0x0]  }
0x16e: {  	v4 =	vld [tilespmem:s16+$0xFFFFFFE0];
	v2 =	vmul.f32 $5.115000000e+02, v2  }
0x16f: {  	v6 =	vld [tilespmem:s16+$0x0];
	v5 =	vmul.f32 $5.115000000e+02, v5  }
0x170: {  	v7 =	vld [tilespmem:s16+$0x10];
	v3 =	vmul.f32 $5.115000000e+02, v3;
	v2 =	vadd.f32 $5.115000000e+02, v2  }
0x171: {  	v8 =	vld [tilespmem:s16+$0xFFFFFFC0];
	v19 =	vmul.f32 $5.115000000e+02, v19;
	v5 =	vadd.f32 $5.115000000e+02, v5  }
0x172: {  	v9 =	vld [tilespmem:s16+$0x20];
	v24 =	vmul.f32 $5.115000000e+02, v23;
	v3 =	vadd.f32 $5.115000000e+02, v3;
	v2 =	vmax.f32 v2, $0.0e+00  }
0x173: {  	v19 =	vadd.f32 $5.115000000e+02, v19;
	v5 =	vmax.f32 v5, $0.0e+00;
	v10 =	vmin.f32 v2, $1.022999940e+03  }
0x174: {  	v2 =	vmul.f32 $5.115000000e+02, v4;
	v5 =	vmin.f32 v5, $1.022999940e+03;
	v4 =	vtrunc.f32 v10  }
0x175: {  	v27 =	vadd.f32 $5.115000000e+02, v24;
	v17 =	vtrunc.f32 v5;
	v11 =	vcvt.f32.s32 v4  }
0x176: {  	v3 =	vmax.f32 v3, $0.0e+00;
	v4 =	vmul.f32 $5.115000000e+02, v6;
	v6 =	vmul.f32 $5.115000000e+02, v7  }
0x177: {  	v2 =	vadd.f32 $5.115000000e+02, v2;
	v7 =	vmul.f32 $5.115000000e+02, v8;
	v8 =	vmul.f32 $5.115000000e+02, v9  }
0x178: {  	v56 =	vcvt.f32.s32 v17;
	v17 =	vld [tilespmem:s17+$0x10];
	v4 =	vadd.f32 $5.115000000e+02, v4;
	v6 =	vadd.f32 $5.115000000e+02, v6  }
0x179: {  	v16 =	vld [tilespmem:s17+$0x30];
	v9 =	vmax.f32 v2, $0.0e+00;
	v7 =	vadd.f32 $5.115000000e+02, v7;
	v2 =	vmin.f32 v3, $1.022999940e+03  }
0x17a: {  	v18 =	vld [tilespmem:s17+$0xFFFFFFD0];
	v19 =	vmax.f32 v19, $0.0e+00;
	v8 =	vadd.f32 $5.115000000e+02, v8;
	v15 =	vtrunc.f32 v2  }
0x17b: {  	v12 =	vmax.f32 v4, $0.0e+00;
	v13 =	vmax.f32 v6, $0.0e+00;
	v3 =	vmax.f32 v7, $0.0e+00  }
0x17c: {  	v4 =	vmin.f32 v9, $1.022999940e+03;
	v21 =	vcvt.f32.s32 v15;
	v15 =	vld [tilespmem:s17+$0xFFFFFFF0];
	v3 =	vmin.f32 v3, $1.022999940e+03  }
0x17d: {  	v6 =	vmin.f32 v12, $1.022999940e+03;
	v12 =	vtrunc.f32 v4;
	v17 =	vmul.f32 $5.115000000e+02, v17;
	v14 =	vld.idx.msk [tilespmem:v11+s23+$0x0], $0xffff  }
0x17e: {  	v8 =	vmax.f32 v8, $0.0e+00;
	v9 =	vld.idx.msk [tilespmem:v11+s22+$0x0], $0xffff;
	v11 =	vtrunc.f32 v3;
	v28 =	vcvt.f32.s32 v12  }
0x17f: {  	v7 =	vmin.f32 v13, $1.022999940e+03;
	v12 =	vmul.f32 $5.115000000e+02, v16;
	v16 =	vmul.f32 $5.115000000e+02, v18;
	v18 =	vld [tilespmem:s17+$0xFFFFFFC0]  }
0x180: {  	v8 =	vmin.f32 v8, $1.022999940e+03;
	v13 =	vtrunc.f32 v6;
	v20 =	vtrunc.f32 v7;
	v32 =	vld.idx.msk [tilespmem:v56+s22+$0x0], $0xffff  }
0x181: {  	v11 =	vcvt.f32.s32 v11;
	v57 =	vcvt.f32.s32 v13;
	v13 =	vld [tilespmem:s17+$0x20];
	v12 =	vadd.f32 $5.115000000e+02, v12  }
0x182: {  	v22 =	vtrunc.f32 v8;
	v58 =	vcvt.f32.s32 v20;
	v20 =	vadd.f32 $5.115000000e+02, v16;
	v16 =	vld.idx.msk [tilespmem:v56+s23+$0x0], $0xffff  }
0x183: {  	v59 =	vcvt.f32.s32 v22;
	v22 =	vmul.f32 $5.115000000e+02, v15;
	v15 =	vmax.f32 v12, $0.0e+00;
	v12 =	vld.idx.msk [tilespmem:v21+s23+$0x0], $0xffff  }
0x184: {  	v61 =	vmax.f32 v27, $0.0e+00;
	v27 =	vmin.f32 v19, $1.022999940e+03;
	v29 =	vld.idx.msk [tilespmem:v21+s22+$0x0], $0xffff;
	v25 =	vmin.f32 v15, $1.022999940e+03  }
0x185: {  	v17 =	vadd.f32 $5.115000000e+02, v17;
	v18 =	vmul.f32 $5.115000000e+02, v18;
	v15 =	vld.idx.msk [tilespmem:v28+s23+$0x0], $0xffff;
	v23 =	vtrunc.f32 v25  }
0x186: {  	v20 =	vmax.f32 v20, $0.0e+00;
	v26 =	vadd.f32 $5.115000000e+02, v22;
	v28 =	vld.idx.msk [tilespmem:v28+s22+$0x0], $0xffff;
	v60 =	vcvt.f32.s32 v23  }
0x187: {  	v14 =	vmul.f32 v10, v14;
	v13 =	vmul.f32 $5.115000000e+02, v13;
	v10 =	vld.idx.msk [tilespmem:v11+s23+$0x0], $0xffff;
	v18 =	vadd.f32 $5.115000000e+02, v18  }
0x188: {  	v31 =	vmax.f32 v26, $0.0e+00;
	v26 =	vmin.f32 v20, $1.022999940e+03;
	v30 =	vld.idx.msk [tilespmem:v11+s22+$0x0], $0xffff;
	v11 =	vmax.f32 v17, $0.0e+00  }
0x189: {  	v23 =	vld.idx.msk [tilespmem:v57+s23+$0x0], $0xffff;
	v17 =	vmin.f32 v61, $1.022999940e+03;
	v9 =	vadd.f32 v14, v9;
	v13 =	vadd.f32 $5.115000000e+02, v13  }
0x18a: {  	v22 =	vld.idx.msk [tilespmem:v58+s23+$0x0], $0xffff;
	v19 =	vmin.f32 v31, $1.022999940e+03;
	v62 =	vtrunc.f32 v26;
	v42 =	vtrunc.f32 v17  }
0x18b: {  	s8 =	simm.s32 $0xCC40;
	v24 =	vld.idx.msk [tilespmem:v59+s23+$0x0], $0xffff;
	v63 =	vtrunc.f32 v19;
	v20 =	vmax.f32 v13, $0.0e+00;
	v13 =	vmax.f32 v18, $0.0e+00  }
0x18c: {  	[tilespmem:s8+$0x30] =	vst v9;
	v9 =	vcvt.f32.s32 v42;
	v31 =	vmin.f32 v13, $1.022999940e+03;
	v13 =	vmin.f32 v11, $1.022999940e+03;
	v36 =	vld.idx.msk [tilespmem:v60+s23+$0x0], $0xffff  }
0x18d: {  	v33 =	vld.idx.msk [tilespmem:v57+s22+$0x0], $0xffff;
	v11 =	vtrunc.f32 v27;
	v18 =	vmin.f32 v20, $1.022999940e+03;
	v20 =	vcvt.f32.s32 v62  }
0x18e: {  	v21 =	vtrunc.f32 v31;
	v38 =	vtrunc.f32 v13;
	v37 =	vld.idx.msk [tilespmem:v60+s22+$0x0], $0xffff  }
0x18f: {  	v34 =	vld.idx.msk [tilespmem:v58+s22+$0x0], $0xffff;
	v39 =	vtrunc.f32 v18;
	v14 =	vcvt.f32.s32 v11  }
0x190: {  	s10 =	simm.s32 $0x8;
	s11 =	simm.s32 $0x4D40;
	s3 =	simm.s32 $0xCC40;
	v35 =	vld.idx.msk [tilespmem:v59+s22+$0x0], $0xffff;
	v11 =	vcvt.f32.s32 v63;
	v21 =	vcvt.f32.s32 v21  }
.LBB2_11:
0x191: {  	v40 =	vld [tilespmem:s11+$0x30];
	s10 =	sadd.s32 $0x8, s10;
	v41 =	vcvt.f32.s32 v38;
	v25 =	vmul.f32 v25, v36  }
0x192: {  	v42 =	vcvt.f32.s32 v39;
	v10 =	vmul.f32 v3, v10;
	v3 =	vmov v31;
	v36 =	vld [tilespmem:s11+$0xFFFFFFD0];
	p0 =	slt.u32 s10, $0x3F8  }
0x193: {  	v12 =	vmul.f32 v2, v12;
	v15 =	vmul.f32 v4, v15;
	v2 =	vmovc v26;
	v31 =	vld [tilespmem:s11+$0xFFFFFFE0];
	v25 =	vadd.f32 v25, v37  }
0x194: {  	s8 =	sadd.s32 $0x80, s8;
	v4 =	vmovc v27;
	v10 =	vadd.f32 v10, v30;
	v30 =	vmul.f32 v5, v16;
	v37 =	vmul.f32 v6, v23;
	v26 =	vld [tilespmem:s11+$0xFFFFFFF0]  }
0x195: {  	v38 =	vmul.f32 v8, v24;
	v12 =	vadd.f32 v12, v29;
	v29 =	vmul.f32 v7, v22;
	v16 =	vld [tilespmem:s11+$0x0];
	[tilespmem:s8+$0x30] =	vst v25  }
0x196: {  	v5 =	vmovc v19;
	v22 =	vld [tilespmem:s11+$0x10];
	v23 =	vmul.f32 $5.115000000e+02, v40;
	[tilespmem:s3+$0xFFFFFFC0] =	vst v10;
	v10 =	vadd.f32 v15, v28;
	v15 =	vadd.f32 v30, v32  }
0x197: {  	v6 =	vmovc v17;
	v25 =	vadd.f32 v37, v33;
	v27 =	vadd.f32 v29, v34;
	v19 =	vmul.f32 $5.115000000e+02, v36;
	v24 =	vld [tilespmem:s11+$0x20];
	[tilespmem:s3+$0xFFFFFFD0] =	vst v12  }
0x198: {  	v8 =	vmovc v18;
	v7 =	vmovc v13;
	v28 =	vadd.f32 v38, v35;
	v17 =	vld [tilespmem:s11+$0xFFFFFFC0];
	v12 =	vmul.f32 $5.115000000e+02, v31;
	v23 =	vadd.f32 $5.115000000e+02, v23;
	[tilespmem:s3+$0xFFFFFFE0] =	vst v10  }
0x199: {  	v13 =	vadd.f32 $5.115000000e+02, v19;
	v18 =	vmul.f32 $5.115000000e+02, v26;
	v10 =	vld.idx.msk [tilespmem:v21+s23+$0x0], $0xffff;
	[tilespmem:s3+$0xFFFFFFF0] =	vst v15  }
0x19a: {  	v19 =	vadd.f32 $5.115000000e+02, v12;
	v16 =	vmul.f32 $5.115000000e+02, v16;
	v15 =	vmax.f32 v23, $0.0e+00;
	v12 =	vld.idx.msk [tilespmem:v20+s23+$0x0], $0xffff;
	[tilespmem:s3+$0x0] =	vst v25  }
0x19b: {  	v18 =	vadd.f32 $5.115000000e+02, v18;
	v22 =	vmul.f32 $5.115000000e+02, v22;
	v25 =	vmin.f32 v15, $1.022999940e+03;
	v15 =	vld.idx.msk [tilespmem:v14+s23+$0x0], $0xffff;
	[tilespmem:s3+$0x10] =	vst v27  }
0x19c: {  	v26 =	vadd.f32 $5.115000000e+02, v16;
	v24 =	vmul.f32 $5.115000000e+02, v24;
	v23 =	vtrunc.f32 v25;
	v16 =	vld.idx.msk [tilespmem:v11+s23+$0x0], $0xffff;
	[tilespmem:s3+$0x20] =	vst v28;
	s3 =	smov.u32 s8  }
0x19d: {  	v17 =	vmul.f32 $5.115000000e+02, v17;
	v27 =	vadd.f32 $5.115000000e+02, v22;
	v33 =	vcvt.f32.s32 v23;
	v23 =	vld.idx.msk [tilespmem:v9+s23+$0x0], $0xffff  }
0x19e: {  	v13 =	vmax.f32 v13, $0.0e+00;
	v19 =	vmax.f32 v19, $0.0e+00;
	v28 =	vadd.f32 $5.115000000e+02, v24;
	v22 =	vld.idx.msk [tilespmem:v41+s23+$0x0], $0xffff  }
0x19f: {  	v18 =	vmax.f32 v18, $0.0e+00;
	v32 =	vmax.f32 v26, $0.0e+00;
	v17 =	vadd.f32 $5.115000000e+02, v17;
	v24 =	vld.idx.msk [tilespmem:v42+s23+$0x0], $0xffff  }
0x1a0: {  	v26 =	vmin.f32 v13, $1.022999940e+03;
	v13 =	vmax.f32 v27, $0.0e+00;
	v34 =	vmax.f32 v28, $0.0e+00;
	v30 =	vld.idx.msk [tilespmem:v21+s22+$0x0], $0xffff  }
0x1a1: {  	v27 =	vmin.f32 v19, $1.022999940e+03;
	v19 =	vmin.f32 v18, $1.022999940e+03;
	v17 =	vmax.f32 v17, $0.0e+00;
	v29 =	vld.idx.msk [tilespmem:v20+s22+$0x0], $0xffff  }
0x1a2: {  	v13 =	vmin.f32 v13, $1.022999940e+03;
	v31 =	vmin.f32 v17, $1.022999940e+03;
	v17 =	vmin.f32 v32, $1.022999940e+03;
	v28 =	vld.idx.msk [tilespmem:v14+s22+$0x0], $0xffff  }
0x1a3: {  	v20 =	vtrunc.f32 v26;
	v18 =	vmin.f32 v34, $1.022999940e+03;
	v14 =	vtrunc.f32 v31;
	v36 =	vld.idx.msk [tilespmem:v33+s23+$0x0], $0xffff  }
.Ltmp4:
0x1a4: {  	v35 =	vtrunc.f32 v19;
	v34 =	vtrunc.f32 v27;
	v32 =	vld.idx.msk [tilespmem:v11+s22+$0x0], $0xffff;
	(pc) =	sbr.rel @p0 .LBB2_11-.Ltmp4, $4  }
0x1a5: {  	v38 =	vtrunc.f32 v13;
	v40 =	vtrunc.f32 v17;
	v37 =	vld.idx.msk [tilespmem:v33+s22+$0x0], $0xffff  }
0x1a6: {  	v39 =	vtrunc.f32 v18;
	v21 =	vcvt.f32.s32 v14;
	v33 =	vld.idx.msk [tilespmem:v9+s22+$0x0], $0xffff  }
0x1a7: {  	v20 =	vcvt.f32.s32 v20;
	v14 =	vcvt.f32.s32 v34;
	v34 =	vld.idx.msk [tilespmem:v41+s22+$0x0], $0xffff  }
0x1a8: {  	s11 =	sadd.s32 $0x80, s11;
	v11 =	vcvt.f32.s32 v35;
	v9 =	vcvt.f32.s32 v40;
	v35 =	vld.idx.msk [tilespmem:v42+s22+$0x0], $0xffff  }
0x1a9: {  	_ =	sdelay $0x3  }
0x1aa: {  	v40 =	vld.idx.msk [tilespmem:v21+s23+$0x0], $0xffff  }
0x1ab: {  	v41 =	vld.idx.msk [tilespmem:v20+s23+$0x0], $0xffff  }
0x1ac: {  	v25 =	vmul.f32 v25, v36;
	v49 =	vld.idx.msk [tilespmem:v14+s23+$0x0], $0xffff  }
0x1ad: {  	v38 =	vcvt.f32.s32 v38;
	v3 =	vmul.f32 v3, v10;
	v54 =	vld.idx.msk [tilespmem:v21+s22+$0x0], $0xffff  }
0x1ae: {  	v2 =	vmul.f32 v2, v12;
	v50 =	vld.idx.msk [tilespmem:v11+s23+$0x0], $0xffff;
	v25 =	vadd.f32 v25, v37  }
0x1af: {  	v39 =	vcvt.f32.s32 v39;
	s8 =	sadd.s32 $0x80, s8;
	v5 =	vmul.f32 v5, v16;
	v51 =	vld.idx.msk [tilespmem:v9+s23+$0x0], $0xffff;
	v3 =	vadd.f32 v3, v30  }
0x1b0: {  	v4 =	vmul.f32 v4, v15;
	v55 =	vld.idx.msk [tilespmem:v11+s22+$0x0], $0xffff;
	v2 =	vadd.f32 v2, v29;
	[tilespmem:s8+$0x30] =	vst v25  }
0x1b1: {  	v6 =	vmul.f32 v6, v23;
	v57 =	vld.idx.msk [tilespmem:v9+s22+$0x0], $0xffff;
	v5 =	vadd.f32 v5, v32;
	[tilespmem:s3+$0xFFFFFFC0] =	vst v3  }
0x1b2: {  	v7 =	vmul.f32 v7, v22;
	v3 =	vadd.f32 v4, v28;
	[tilespmem:s3+$0xFFFFFFD0] =	vst v2;
	v2 =	vld.idx.msk [tilespmem:v20+s22+$0x0], $0xffff  }
0x1b3: {  	v8 =	vmul.f32 v8, v24;
	v6 =	vadd.f32 v6, v33;
	[tilespmem:s3+$0xFFFFFFF0] =	vst v5;
	v52 =	vld.idx.msk [tilespmem:v38+s23+$0x0], $0xffff  }
0x1b4: {  	v7 =	vadd.f32 v7, v34;
	v56 =	vmul.f32 v31, v40;
	[tilespmem:s3+$0xFFFFFFE0] =	vst v3;
	v3 =	vld.idx.msk [tilespmem:v14+s22+$0x0], $0xffff  }
0x1b5: {  	v8 =	vadd.f32 v8, v35;
	[tilespmem:s3+$0x0] =	vst v6;
	v53 =	vld.idx.msk [tilespmem:v39+s23+$0x0], $0xffff;
	v10 =	vmul.f32 v19, v50  }
0x1b6: {  	v58 =	vmul.f32 v26, v41;
	[tilespmem:s3+$0x10] =	vst v7;
	v59 =	vld.idx.msk [tilespmem:v38+s22+$0x0], $0xffff;
	v4 =	vadd.f32 v56, v54  }
0x1b7: {  	v60 =	vmul.f32 v27, v49;
	[tilespmem:s3+$0x20] =	vst v8;
	v61 =	vld.idx.msk [tilespmem:v39+s22+$0x0], $0xffff;
	v5 =	vadd.f32 v10, v55  }
0x1b8: {  	v62 =	vmul.f32 v17, v51;
	v2 =	vadd.f32 v58, v2;
	[tilespmem:s8+$0xFFFFFFC0] =	vst v4  }
0x1b9: {  	[tilespmem:s8+$0xFFFFFFF0] =	vst v5;
	v3 =	vadd.f32 v60, v3;
	v63 =	vmul.f32 v13, v52  }
0x1ba: {  	v6 =	vadd.f32 v62, v57;
	[tilespmem:s8+$0xFFFFFFD0] =	vst v2;
	v2 =	vmul.f32 v18, v53  }
0x1bb: {  	[tilespmem:s8+$0xFFFFFFE0] =	vst v3;
	v3 =	vadd.f32 v63, v59  }
0x1bc: {  	s31 =	sadd.s32 $0x1, s31;
	[tilespmem:s8+$0x0] =	vst v6;
	v2 =	vadd.f32 v2, v61  }
0x1bd: {  	s0 =	sadd.s32 s0, s4;
	p0 =	sne.s32 s31, $0x1F;
	[tilespmem:s8+$0x10] =	vst v3  }
.Ltmp5:
0x1be: {  	s17 =	sadd.s32 s2, s14;
	s0 =	sadd.s32 $0x800, s0;
	[tilespmem:s8+$0x20] =	vst v2;
	(pc) =	sbr.rel @p0 .LBB2_8-.Ltmp5, $4  }
0x1bf: {  	[hbm4b:s0+s5] =	stream.linear.scatter [tilespmem:s26], [sflag:$0x4], $0x4000, $0x38;
	[tilespmem:$0x10C00] =	vst v63  }
0x1c0: {  	s0 =	sshrl.u32 s17, $0x3  }
0x1c1: {  	s0 =	sadd.s32 s1, s0  }
0x1c2: {  	[tilespmem:s19], [sflag:$0x2] =	stream.linear.gather [hbm4b:s0+s5], $0x4000, $0x38;
	[tilespmem:$0x10C00] =	vst v63  }
0x1c3: {  	_ =	swait.ge [sflag:s21], $0x4000  }
0x1c4: {  	[sflag:s21] =	ssyncset.done $0x0  }
0x1c5: {  	[sflag:s21] =	ssyncadd.s32 $0xFFFFC000  }
0x1c6: {  	_ =	swait.ge [sflag:s28], $0x4000  }
0x1c7: {  	[sflag:s28] =	ssyncset.done $0x0  }
0x1c8: {  	s0 =	simm.s32 $0xC40;
	[sflag:s28] =	ssyncadd.s32 $0xFFFFC000  }
0x1c9: {  	v2 =	vld [tilespmem:s0+$0x30]  }
0x1ca: {  	v5 =	vld [tilespmem:s0+$0xFFFFFFF0];
	_ =	sdelay $0x1  }
0x1cb: {  	s31 =	simm.s32 $0xCC0;
	v3 =	vld [tilespmem:s0+$0xFFFFFFD0]  }
0x1cc: {  	v19 =	vld [tilespmem:s31+$0xFFFFFFE0]  }
0x1cd: {  	v23 =	vld [tilespmem:s31+$0x0]  }
0x1ce: {  	v4 =	vld [tilespmem:s0+$0xFFFFFFE0];
	v2 =	vmul.f32 $5.115000000e+02, v2;
	v5 =	vmul.f32 $5.115000000e+02, v5  }
0x1cf: {  	v6 =	vld [tilespmem:s0+$0x0]  }
0x1d0: {  	v7 =	vld [tilespmem:s0+$0x10];
	v2 =	vadd.f32 $5.115000000e+02, v2;
	v5 =	vadd.f32 $5.115000000e+02, v5  }
0x1d1: {  	v8 =	vld [tilespmem:s0+$0xFFFFFFC0];
	v3 =	vmul.f32 $5.115000000e+02, v3;
	v19 =	vmul.f32 $5.115000000e+02, v19  }
0x1d2: {  	v9 =	vld [tilespmem:s0+$0x20];
	v24 =	vmul.f32 $5.115000000e+02, v23;
	v2 =	vmax.f32 v2, $0.0e+00;
	v5 =	vmax.f32 v5, $0.0e+00  }
0x1d3: {  	v10 =	vmin.f32 v2, $1.022999940e+03;
	v2 =	vmul.f32 $5.115000000e+02, v4;
	v5 =	vmin.f32 v5, $1.022999940e+03  }
0x1d4: {  	v3 =	vadd.f32 $5.115000000e+02, v3;
	v4 =	vtrunc.f32 v10;
	v17 =	vtrunc.f32 v5  }
0x1d5: {  	v19 =	vadd.f32 $5.115000000e+02, v19;
	v11 =	vcvt.f32.s32 v4;
	v4 =	vmul.f32 $5.115000000e+02, v6  }
0x1d6: {  	v6 =	vmul.f32 $5.115000000e+02, v7;
	v2 =	vadd.f32 $5.115000000e+02, v2;
	v7 =	vmul.f32 $5.115000000e+02, v8  }
0x1d7: {  	v3 =	vmax.f32 v3, $0.0e+00;
	v8 =	vmul.f32 $5.115000000e+02, v9;
	v32 =	vcvt.f32.s32 v17  }
0x1d8: {  	v4 =	vadd.f32 $5.115000000e+02, v4;
	v6 =	vadd.f32 $5.115000000e+02, v6;
	v9 =	vmax.f32 v2, $0.0e+00  }
0x1d9: {  	v16 =	vld [tilespmem:s31+$0x30];
	v7 =	vadd.f32 $5.115000000e+02, v7;
	v8 =	vadd.f32 $5.115000000e+02, v8;
	v2 =	vmin.f32 v3, $1.022999940e+03  }
0x1da: {  	v18 =	vld [tilespmem:s31+$0xFFFFFFD0];
	v15 =	vtrunc.f32 v2;
	v12 =	vmax.f32 v4, $0.0e+00;
	v13 =	vmax.f32 v6, $0.0e+00  }
0x1db: {  	v17 =	vld [tilespmem:s31+$0x10];
	v3 =	vmax.f32 v7, $0.0e+00;
	v4 =	vmin.f32 v9, $1.022999940e+03;
	v21 =	vcvt.f32.s32 v15  }
0x1dc: {  	v3 =	vmin.f32 v3, $1.022999940e+03;
	v6 =	vmin.f32 v12, $1.022999940e+03;
	v12 =	vtrunc.f32 v4;
	v14 =	vld.idx.msk [tilespmem:v11+s23+$0x0], $0xffff  }
0x1dd: {  	v7 =	vmin.f32 v13, $1.022999940e+03;
	v9 =	vld.idx.msk [tilespmem:v11+s22+$0x0], $0xffff;
	v11 =	vtrunc.f32 v3;
	v13 =	vtrunc.f32 v6  }
0x1de: {  	v27 =	vadd.f32 $5.115000000e+02, v24;
	v15 =	vld [tilespmem:s31+$0xFFFFFFF0];
	v20 =	vtrunc.f32 v7;
	v28 =	vcvt.f32.s32 v12  }
0x1df: {  	v8 =	vmax.f32 v8, $0.0e+00;
	v12 =	vmul.f32 $5.115000000e+02, v16;
	v16 =	vmul.f32 $5.115000000e+02, v18;
	v18 =	vld [tilespmem:s31+$0xFFFFFFC0]  }
0x1e0: {  	v8 =	vmin.f32 v8, $1.022999940e+03;
	v11 =	vcvt.f32.s32 v11;
	v33 =	vcvt.f32.s32 v13;
	v13 =	vld [tilespmem:s31+$0x20]  }
0x1e1: {  	v34 =	vcvt.f32.s32 v20;
	v12 =	vadd.f32 $5.115000000e+02, v12;
	v20 =	vadd.f32 $5.115000000e+02, v16;
	v16 =	vld.idx.msk [tilespmem:v32+s23+$0x0], $0xffff  }
0x1e2: {  	v19 =	vmax.f32 v19, $0.0e+00;
	v17 =	vmul.f32 $5.115000000e+02, v17;
	v22 =	vtrunc.f32 v8;
	v32 =	vld.idx.msk [tilespmem:v32+s22+$0x0], $0xffff  }
0x1e3: {  	v35 =	vcvt.f32.s32 v22;
	v22 =	vmul.f32 $5.115000000e+02, v15;
	v15 =	vmax.f32 v12, $0.0e+00;
	v12 =	vld.idx.msk [tilespmem:v21+s23+$0x0], $0xffff  }
0x1e4: {  	v36 =	vmax.f32 v27, $0.0e+00;
	v27 =	vmin.f32 v19, $1.022999940e+03;
	v29 =	vld.idx.msk [tilespmem:v21+s22+$0x0], $0xffff;
	v25 =	vmin.f32 v15, $1.022999940e+03  }
0x1e5: {  	v17 =	vadd.f32 $5.115000000e+02, v17;
	v18 =	vmul.f32 $5.115000000e+02, v18;
	v15 =	vld.idx.msk [tilespmem:v28+s23+$0x0], $0xffff;
	v23 =	vtrunc.f32 v25  }
0x1e6: {  	v20 =	vmax.f32 v20, $0.0e+00;
	v26 =	vadd.f32 $5.115000000e+02, v22;
	v28 =	vld.idx.msk [tilespmem:v28+s22+$0x0], $0xffff;
	v37 =	vcvt.f32.s32 v23  }
0x1e7: {  	v14 =	vmul.f32 v10, v14;
	v13 =	vmul.f32 $5.115000000e+02, v13;
	v10 =	vld.idx.msk [tilespmem:v11+s23+$0x0], $0xffff;
	v18 =	vadd.f32 $5.115000000e+02, v18  }
0x1e8: {  	v31 =	vmax.f32 v26, $0.0e+00;
	v26 =	vmin.f32 v20, $1.022999940e+03;
	v30 =	vld.idx.msk [tilespmem:v11+s22+$0x0], $0xffff;
	v11 =	vmax.f32 v17, $0.0e+00  }
0x1e9: {  	v23 =	vld.idx.msk [tilespmem:v33+s23+$0x0], $0xffff;
	v17 =	vmin.f32 v36, $1.022999940e+03;
	v9 =	vadd.f32 v14, v9;
	v13 =	vadd.f32 $5.115000000e+02, v13  }
0x1ea: {  	v22 =	vld.idx.msk [tilespmem:v34+s23+$0x0], $0xffff;
	v19 =	vmin.f32 v31, $1.022999940e+03;
	v40 =	vtrunc.f32 v26;
	v42 =	vtrunc.f32 v17  }
0x1eb: {  	s2 =	simm.s32 $0x8C40;
	v24 =	vld.idx.msk [tilespmem:v35+s23+$0x0], $0xffff;
	v41 =	vtrunc.f32 v19;
	v20 =	vmax.f32 v13, $0.0e+00;
	v13 =	vmax.f32 v18, $0.0e+00  }
0x1ec: {  	[tilespmem:s2+$0x30] =	vst v9;
	v9 =	vcvt.f32.s32 v42;
	v31 =	vmin.f32 v13, $1.022999940e+03;
	v13 =	vmin.f32 v11, $1.022999940e+03;
	v36 =	vld.idx.msk [tilespmem:v37+s23+$0x0], $0xffff  }
0x1ed: {  	v33 =	vld.idx.msk [tilespmem:v33+s22+$0x0], $0xffff;
	v11 =	vtrunc.f32 v27;
	v18 =	vmin.f32 v20, $1.022999940e+03;
	v20 =	vcvt.f32.s32 v40  }
0x1ee: {  	v21 =	vtrunc.f32 v31;
	v38 =	vtrunc.f32 v13;
	v37 =	vld.idx.msk [tilespmem:v37+s22+$0x0], $0xffff  }
0x1ef: {  	v34 =	vld.idx.msk [tilespmem:v34+s22+$0x0], $0xffff;
	v39 =	vtrunc.f32 v18;
	v14 =	vcvt.f32.s32 v11  }
0x1f0: {  	s3 =	simm.s32 $0x8;
	s8 =	simm.s32 $0xD40;
	s0 =	simm.s32 $0x8C40;
	v35 =	vld.idx.msk [tilespmem:v35+s22+$0x0], $0xffff;
	v11 =	vcvt.f32.s32 v41;
	v21 =	vcvt.f32.s32 v21  }
.LBB2_14:
0x1f1: {  	v40 =	vld [tilespmem:s8+$0x30];
	s3 =	sadd.s32 $0x8, s3;
	v41 =	vcvt.f32.s32 v38;
	v25 =	vmul.f32 v25, v36  }
0x1f2: {  	v42 =	vcvt.f32.s32 v39;
	v10 =	vmul.f32 v3, v10;
	v3 =	vmov v31;
	v36 =	vld [tilespmem:s8+$0xFFFFFFD0];
	p0 =	slt.u32 s3, $0x3F8  }
0x1f3: {  	v12 =	vmul.f32 v2, v12;
	v15 =	vmul.f32 v4, v15;
	v2 =	vmovc v26;
	v31 =	vld [tilespmem:s8+$0xFFFFFFE0];
	v25 =	vadd.f32 v25, v37  }
0x1f4: {  	s2 =	sadd.s32 $0x80, s2;
	v4 =	vmovc v27;
	v10 =	vadd.f32 v10, v30;
	v30 =	vmul.f32 v5, v16;
	v37 =	vmul.f32 v6, v23;
	v26 =	vld [tilespmem:s8+$0xFFFFFFF0]  }
0x1f5: {  	v38 =	vmul.f32 v8, v24;
	v12 =	vadd.f32 v12, v29;
	v29 =	vmul.f32 v7, v22;
	v16 =	vld [tilespmem:s8+$0x0];
	[tilespmem:s2+$0x30] =	vst v25  }
0x1f6: {  	v5 =	vmovc v19;
	v22 =	vld [tilespmem:s8+$0x10];
	v23 =	vmul.f32 $5.115000000e+02, v40;
	[tilespmem:s0+$0xFFFFFFC0] =	vst v10;
	v10 =	vadd.f32 v15, v28;
	v15 =	vadd.f32 v30, v32  }
0x1f7: {  	v6 =	vmovc v17;
	v25 =	vadd.f32 v37, v33;
	v27 =	vadd.f32 v29, v34;
	v19 =	vmul.f32 $5.115000000e+02, v36;
	v24 =	vld [tilespmem:s8+$0x20];
	[tilespmem:s0+$0xFFFFFFD0] =	vst v12  }
0x1f8: {  	v8 =	vmovc v18;
	v7 =	vmovc v13;
	v28 =	vadd.f32 v38, v35;
	v17 =	vld [tilespmem:s8+$0xFFFFFFC0];
	v12 =	vmul.f32 $5.115000000e+02, v31;
	v23 =	vadd.f32 $5.115000000e+02, v23;
	[tilespmem:s0+$0xFFFFFFE0] =	vst v10  }
0x1f9: {  	v13 =	vadd.f32 $5.115000000e+02, v19;
	v18 =	vmul.f32 $5.115000000e+02, v26;
	v10 =	vld.idx.msk [tilespmem:v21+s23+$0x0], $0xffff;
	[tilespmem:s0+$0xFFFFFFF0] =	vst v15  }
0x1fa: {  	v19 =	vadd.f32 $5.115000000e+02, v12;
	v16 =	vmul.f32 $5.115000000e+02, v16;
	v15 =	vmax.f32 v23, $0.0e+00;
	v12 =	vld.idx.msk [tilespmem:v20+s23+$0x0], $0xffff;
	[tilespmem:s0+$0x0] =	vst v25  }
0x1fb: {  	v18 =	vadd.f32 $5.115000000e+02, v18;
	v22 =	vmul.f32 $5.115000000e+02, v22;
	v25 =	vmin.f32 v15, $1.022999940e+03;
	v15 =	vld.idx.msk [tilespmem:v14+s23+$0x0], $0xffff;
	[tilespmem:s0+$0x10] =	vst v27  }
0x1fc: {  	v26 =	vadd.f32 $5.115000000e+02, v16;
	v24 =	vmul.f32 $5.115000000e+02, v24;
	v23 =	vtrunc.f32 v25;
	v16 =	vld.idx.msk [tilespmem:v11+s23+$0x0], $0xffff;
	[tilespmem:s0+$0x20] =	vst v28;
	s0 =	smov.u32 s2  }
0x1fd: {  	v17 =	vmul.f32 $5.115000000e+02, v17;
	v27 =	vadd.f32 $5.115000000e+02, v22;
	v33 =	vcvt.f32.s32 v23;
	v23 =	vld.idx.msk [tilespmem:v9+s23+$0x0], $0xffff  }
0x1fe: {  	v13 =	vmax.f32 v13, $0.0e+00;
	v19 =	vmax.f32 v19, $0.0e+00;
	v28 =	vadd.f32 $5.115000000e+02, v24;
	v22 =	vld.idx.msk [tilespmem:v41+s23+$0x0], $0xffff  }
0x1ff: {  	v18 =	vmax.f32 v18, $0.0e+00;
	v32 =	vmax.f32 v26, $0.0e+00;
	v17 =	vadd.f32 $5.115000000e+02, v17;
	v24 =	vld.idx.msk [tilespmem:v42+s23+$0x0], $0xffff  }
0x200: {  	v26 =	vmin.f32 v13, $1.022999940e+03;
	v13 =	vmax.f32 v27, $0.0e+00;
	v34 =	vmax.f32 v28, $0.0e+00;
	v30 =	vld.idx.msk [tilespmem:v21+s22+$0x0], $0xffff  }
0x201: {  	v27 =	vmin.f32 v19, $1.022999940e+03;
	v19 =	vmin.f32 v18, $1.022999940e+03;
	v17 =	vmax.f32 v17, $0.0e+00;
	v29 =	vld.idx.msk [tilespmem:v20+s22+$0x0], $0xffff  }
0x202: {  	v13 =	vmin.f32 v13, $1.022999940e+03;
	v31 =	vmin.f32 v17, $1.022999940e+03;
	v17 =	vmin.f32 v32, $1.022999940e+03;
	v28 =	vld.idx.msk [tilespmem:v14+s22+$0x0], $0xffff  }
0x203: {  	v20 =	vtrunc.f32 v26;
	v18 =	vmin.f32 v34, $1.022999940e+03;
	v14 =	vtrunc.f32 v31;
	v36 =	vld.idx.msk [tilespmem:v33+s23+$0x0], $0xffff  }
.Ltmp6:
0x204: {  	v35 =	vtrunc.f32 v19;
	v34 =	vtrunc.f32 v27;
	v32 =	vld.idx.msk [tilespmem:v11+s22+$0x0], $0xffff;
	(pc) =	sbr.rel @p0 .LBB2_14-.Ltmp6, $4  }
0x205: {  	v38 =	vtrunc.f32 v13;
	v40 =	vtrunc.f32 v17;
	v37 =	vld.idx.msk [tilespmem:v33+s22+$0x0], $0xffff  }
0x206: {  	v39 =	vtrunc.f32 v18;
	v21 =	vcvt.f32.s32 v14;
	v33 =	vld.idx.msk [tilespmem:v9+s22+$0x0], $0xffff  }
0x207: {  	v20 =	vcvt.f32.s32 v20;
	v14 =	vcvt.f32.s32 v34;
	v34 =	vld.idx.msk [tilespmem:v41+s22+$0x0], $0xffff  }
0x208: {  	s8 =	sadd.s32 $0x80, s8;
	v11 =	vcvt.f32.s32 v35;
	v9 =	vcvt.f32.s32 v40;
	v35 =	vld.idx.msk [tilespmem:v42+s22+$0x0], $0xffff  }
0x209: {  	_ =	sdelay $0x3  }
0x20a: {  	v40 =	vld.idx.msk [tilespmem:v21+s23+$0x0], $0xffff  }
0x20b: {  	v41 =	vld.idx.msk [tilespmem:v20+s23+$0x0], $0xffff;
	v3 =	vmul.f32 v3, v10  }
0x20c: {  	v38 =	vcvt.f32.s32 v38;
	v55 =	vld.idx.msk [tilespmem:v14+s23+$0x0], $0xffff;
	v2 =	vmul.f32 v2, v12  }
0x20d: {  	v4 =	vmul.f32 v4, v15;
	v5 =	vmul.f32 v5, v16;
	v10 =	vld.idx.msk [tilespmem:v11+s23+$0x0], $0xffff;
	v3 =	vadd.f32 v3, v30  }
0x20e: {  	v6 =	vmul.f32 v6, v23;
	v12 =	vld.idx.msk [tilespmem:v9+s23+$0x0], $0xffff;
	v2 =	vadd.f32 v2, v29  }
0x20f: {  	v39 =	vcvt.f32.s32 v39;
	v5 =	vadd.f32 v5, v32;
	[tilespmem:s0+$0xFFFFFFC0] =	vst v3;
	v3 =	vadd.f32 v4, v28;
	v4 =	vld.idx.msk [tilespmem:v21+s22+$0x0], $0xffff  }
0x210: {  	v6 =	vadd.f32 v6, v33;
	[tilespmem:s0+$0xFFFFFFD0] =	vst v2;
	v2 =	vld.idx.msk [tilespmem:v20+s22+$0x0], $0xffff  }
0x211: {  	v25 =	vmul.f32 v25, v36;
	[tilespmem:s0+$0xFFFFFFF0] =	vst v5;
	v5 =	vld.idx.msk [tilespmem:v11+s22+$0x0], $0xffff  }
0x212: {  	v7 =	vmul.f32 v7, v22;
	[tilespmem:s0+$0x0] =	vst v6;
	v6 =	vld.idx.msk [tilespmem:v9+s22+$0x0], $0xffff  }
0x213: {  	v8 =	vmul.f32 v8, v24;
	v25 =	vadd.f32 v25, v37;
	v15 =	vld.idx.msk [tilespmem:v38+s23+$0x0], $0xffff  }
0x214: {  	s2 =	sadd.s32 $0x80, s2;
	v7 =	vadd.f32 v7, v34;
	v11 =	vmul.f32 v31, v40;
	[tilespmem:s0+$0xFFFFFFE0] =	vst v3;
	v3 =	vld.idx.msk [tilespmem:v14+s22+$0x0], $0xffff  }
0x215: {  	[tilespmem:s2+$0x30] =	vst v25;
	v8 =	vadd.f32 v8, v35;
	v9 =	vmul.f32 v26, v41;
	v16 =	vld.idx.msk [tilespmem:v39+s23+$0x0], $0xffff  }
0x216: {  	[tilespmem:s0+$0x10] =	vst v7;
	v7 =	vld.idx.msk [tilespmem:v38+s22+$0x0], $0xffff;
	v10 =	vmul.f32 v19, v10;
	v4 =	vadd.f32 v11, v4  }
0x217: {  	v14 =	vmul.f32 v27, v55;
	[tilespmem:s0+$0x20] =	vst v8;
	v8 =	vld.idx.msk [tilespmem:v39+s22+$0x0], $0xffff;
	v2 =	vadd.f32 v9, v2  }
0x218: {  	v9 =	vmul.f32 v17, v12;
	v5 =	vadd.f32 v10, v5;
	[tilespmem:s2+$0xFFFFFFC0] =	vst v4  }
0x219: {  	v3 =	vadd.f32 v14, v3;
	v4 =	vmul.f32 v13, v15;
	[tilespmem:s2+$0xFFFFFFD0] =	vst v2  }
0x21a: {  	v2 =	vmul.f32 v18, v16;
	v6 =	vadd.f32 v9, v6;
	[tilespmem:s2+$0xFFFFFFF0] =	vst v5  }
0x21b: {  	[tilespmem:s2+$0xFFFFFFE0] =	vst v3;
	v3 =	vadd.f32 v4, v7  }
0x21c: {  	v2 =	vadd.f32 v2, v8;
	[tilespmem:s2+$0x0] =	vst v6  }
0x21d: {  	[tilespmem:s2+$0x10] =	vst v3  }
0x21e: {  	[tilespmem:s2+$0x20] =	vst v2  }
0x21f: {  	s0 =	rddreg [dreg:$0x8]  }
0x220: {  	[hbm4b:s0+s5] =	stream.linear.scatter [tilespmem:s24], [sflag:$0x3], $0x4000, $0x38;
	[tilespmem:$0x10C00] =	vst v63  }
0x221: {  	_ =	swait.ge [sflag:s25], $0x4000  }
0x222: {  	[sflag:s25] =	ssyncset.done $0x0  }
0x223: {  	[sflag:s25] =	ssyncadd.s32 $0xFFFFC000  }
0x224: {  	_ =	swait.ge [sflag:s29], $0x4000  }
0x225: {  	[sflag:s29] =	ssyncset.done $0x0  }
0x226: {  	s17 =	simm.s32 $0x4C40;
	[sflag:s29] =	ssyncadd.s32 $0xFFFFC000  }
0x227: {  	v2 =	vld [tilespmem:s17+$0x30]  }
0x228: {  	v5 =	vld [tilespmem:s17+$0xFFFFFFF0]  }
0x229: {  	s31 =	simm.s32 $0x4CC0;
	v3 =	vld [tilespmem:s17+$0xFFFFFFD0]  }
0x22a: {  	v19 =	vld [tilespmem:s31+$0xFFFFFFE0]  }
0x22b: {  	v23 =	vld [tilespmem:s31+$0x0]  }
0x22c: {  	v4 =	vld [tilespmem:s17+$0xFFFFFFE0];
	v2 =	vmul.f32 $5.115000000e+02, v2  }
0x22d: {  	v6 =	vld [tilespmem:s17+$0x0];
	v5 =	vmul.f32 $5.115000000e+02, v5  }
0x22e: {  	v7 =	vld [tilespmem:s17+$0x10];
	v3 =	vmul.f32 $5.115000000e+02, v3;
	v2 =	vadd.f32 $5.115000000e+02, v2  }
0x22f: {  	v8 =	vld [tilespmem:s17+$0xFFFFFFC0];
	v19 =	vmul.f32 $5.115000000e+02, v19;
	v5 =	vadd.f32 $5.115000000e+02, v5  }
0x230: {  	v9 =	vld [tilespmem:s17+$0x20];
	v24 =	vmul.f32 $5.115000000e+02, v23;
	v3 =	vadd.f32 $5.115000000e+02, v3;
	v2 =	vmax.f32 v2, $0.0e+00  }
0x231: {  	v19 =	vadd.f32 $5.115000000e+02, v19;
	v5 =	vmax.f32 v5, $0.0e+00;
	v10 =	vmin.f32 v2, $1.022999940e+03  }
0x232: {  	v2 =	vmul.f32 $5.115000000e+02, v4;
	v5 =	vmin.f32 v5, $1.022999940e+03;
	v4 =	vtrunc.f32 v10  }
0x233: {  	v27 =	vadd.f32 $5.115000000e+02, v24;
	v17 =	vtrunc.f32 v5;
	v11 =	vcvt.f32.s32 v4  }
0x234: {  	v3 =	vmax.f32 v3, $0.0e+00;
	v4 =	vmul.f32 $5.115000000e+02, v6;
	v6 =	vmul.f32 $5.115000000e+02, v7  }
0x235: {  	v2 =	vadd.f32 $5.115000000e+02, v2;
	v7 =	vmul.f32 $5.115000000e+02, v8;
	v8 =	vmul.f32 $5.115000000e+02, v9  }
0x236: {  	v56 =	vcvt.f32.s32 v17;
	v17 =	vld [tilespmem:s31+$0x10];
	v4 =	vadd.f32 $5.115000000e+02, v4;
	v6 =	vadd.f32 $5.115000000e+02, v6  }
0x237: {  	v16 =	vld [tilespmem:s31+$0x30];
	v9 =	vmax.f32 v2, $0.0e+00;
	v7 =	vadd.f32 $5.115000000e+02, v7;
	v2 =	vmin.f32 v3, $1.022999940e+03  }
0x238: {  	v18 =	vld [tilespmem:s31+$0xFFFFFFD0];
	v19 =	vmax.f32 v19, $0.0e+00;
	v8 =	vadd.f32 $5.115000000e+02, v8;
	v15 =	vtrunc.f32 v2  }
0x239: {  	v12 =	vmax.f32 v4, $0.0e+00;
	v13 =	vmax.f32 v6, $0.0e+00;
	v3 =	vmax.f32 v7, $0.0e+00  }
0x23a: {  	v4 =	vmin.f32 v9, $1.022999940e+03;
	v21 =	vcvt.f32.s32 v15;
	v15 =	vld [tilespmem:s31+$0xFFFFFFF0];
	v3 =	vmin.f32 v3, $1.022999940e+03  }
0x23b: {  	v6 =	vmin.f32 v12, $1.022999940e+03;
	v12 =	vtrunc.f32 v4;
	v17 =	vmul.f32 $5.115000000e+02, v17;
	v14 =	vld.idx.msk [tilespmem:v11+s23+$0x0], $0xffff  }
0x23c: {  	v8 =	vmax.f32 v8, $0.0e+00;
	v9 =	vld.idx.msk [tilespmem:v11+s22+$0x0], $0xffff;
	v11 =	vtrunc.f32 v3;
	v28 =	vcvt.f32.s32 v12  }
0x23d: {  	v7 =	vmin.f32 v13, $1.022999940e+03;
	v12 =	vmul.f32 $5.115000000e+02, v16;
	v16 =	vmul.f32 $5.115000000e+02, v18;
	v18 =	vld [tilespmem:s31+$0xFFFFFFC0]  }
0x23e: {  	v8 =	vmin.f32 v8, $1.022999940e+03;
	v13 =	vtrunc.f32 v6;
	v20 =	vtrunc.f32 v7;
	v32 =	vld.idx.msk [tilespmem:v56+s22+$0x0], $0xffff  }
0x23f: {  	v11 =	vcvt.f32.s32 v11;
	v57 =	vcvt.f32.s32 v13;
	v13 =	vld [tilespmem:s31+$0x20];
	v12 =	vadd.f32 $5.115000000e+02, v12  }
0x240: {  	v22 =	vtrunc.f32 v8;
	v58 =	vcvt.f32.s32 v20;
	v20 =	vadd.f32 $5.115000000e+02, v16;
	v16 =	vld.idx.msk [tilespmem:v56+s23+$0x0], $0xffff  }
0x241: {  	v59 =	vcvt.f32.s32 v22;
	v22 =	vmul.f32 $5.115000000e+02, v15;
	v15 =	vmax.f32 v12, $0.0e+00;
	v12 =	vld.idx.msk [tilespmem:v21+s23+$0x0], $0xffff  }
0x242: {  	v61 =	vmax.f32 v27, $0.0e+00;
	v27 =	vmin.f32 v19, $1.022999940e+03;
	v29 =	vld.idx.msk [tilespmem:v21+s22+$0x0], $0xffff;
	v25 =	vmin.f32 v15, $1.022999940e+03  }
0x243: {  	v17 =	vadd.f32 $5.115000000e+02, v17;
	v18 =	vmul.f32 $5.115000000e+02, v18;
	v15 =	vld.idx.msk [tilespmem:v28+s23+$0x0], $0xffff;
	v23 =	vtrunc.f32 v25  }
0x244: {  	v20 =	vmax.f32 v20, $0.0e+00;
	v26 =	vadd.f32 $5.115000000e+02, v22;
	v28 =	vld.idx.msk [tilespmem:v28+s22+$0x0], $0xffff;
	v60 =	vcvt.f32.s32 v23  }
0x245: {  	v14 =	vmul.f32 v10, v14;
	v13 =	vmul.f32 $5.115000000e+02, v13;
	v10 =	vld.idx.msk [tilespmem:v11+s23+$0x0], $0xffff;
	v18 =	vadd.f32 $5.115000000e+02, v18  }
0x246: {  	v31 =	vmax.f32 v26, $0.0e+00;
	v26 =	vmin.f32 v20, $1.022999940e+03;
	v30 =	vld.idx.msk [tilespmem:v11+s22+$0x0], $0xffff;
	v11 =	vmax.f32 v17, $0.0e+00  }
0x247: {  	v23 =	vld.idx.msk [tilespmem:v57+s23+$0x0], $0xffff;
	v17 =	vmin.f32 v61, $1.022999940e+03;
	v9 =	vadd.f32 v14, v9;
	v13 =	vadd.f32 $5.115000000e+02, v13  }
0x248: {  	v22 =	vld.idx.msk [tilespmem:v58+s23+$0x0], $0xffff;
	v19 =	vmin.f32 v31, $1.022999940e+03;
	v62 =	vtrunc.f32 v26;
	v42 =	vtrunc.f32 v17  }
0x249: {  	s2 =	simm.s32 $0xCC40;
	v24 =	vld.idx.msk [tilespmem:v59+s23+$0x0], $0xffff;
	v63 =	vtrunc.f32 v19;
	v20 =	vmax.f32 v13, $0.0e+00;
	v13 =	vmax.f32 v18, $0.0e+00  }
0x24a: {  	[tilespmem:s2+$0x30] =	vst v9;
	v9 =	vcvt.f32.s32 v42;
	v31 =	vmin.f32 v13, $1.022999940e+03;
	v13 =	vmin.f32 v11, $1.022999940e+03;
	v36 =	vld.idx.msk [tilespmem:v60+s23+$0x0], $0xffff  }
0x24b: {  	v33 =	vld.idx.msk [tilespmem:v57+s22+$0x0], $0xffff;
	v11 =	vtrunc.f32 v27;
	v18 =	vmin.f32 v20, $1.022999940e+03;
	v20 =	vcvt.f32.s32 v62  }
0x24c: {  	v21 =	vtrunc.f32 v31;
	v38 =	vtrunc.f32 v13;
	v37 =	vld.idx.msk [tilespmem:v60+s22+$0x0], $0xffff  }
0x24d: {  	v34 =	vld.idx.msk [tilespmem:v58+s22+$0x0], $0xffff;
	v39 =	vtrunc.f32 v18;
	v14 =	vcvt.f32.s32 v11  }
0x24e: {  	s3 =	simm.s32 $0x8;
	s8 =	simm.s32 $0x4D40;
	s0 =	simm.s32 $0xCC40;
	v35 =	vld.idx.msk [tilespmem:v59+s22+$0x0], $0xffff;
	v11 =	vcvt.f32.s32 v63;
	v21 =	vcvt.f32.s32 v21  }
.LBB2_16:
0x24f: {  	v40 =	vld [tilespmem:s8+$0x30];
	s3 =	sadd.s32 $0x8, s3;
	v41 =	vcvt.f32.s32 v38;
	v25 =	vmul.f32 v25, v36  }
0x250: {  	v42 =	vcvt.f32.s32 v39;
	v10 =	vmul.f32 v3, v10;
	v3 =	vmov v31;
	v36 =	vld [tilespmem:s8+$0xFFFFFFD0];
	p0 =	slt.u32 s3, $0x3F8  }
0x251: {  	v12 =	vmul.f32 v2, v12;
	v15 =	vmul.f32 v4, v15;
	v2 =	vmovc v26;
	v31 =	vld [tilespmem:s8+$0xFFFFFFE0];
	v25 =	vadd.f32 v25, v37  }
0x252: {  	s2 =	sadd.s32 $0x80, s2;
	v4 =	vmovc v27;
	v10 =	vadd.f32 v10, v30;
	v30 =	vmul.f32 v5, v16;
	v37 =	vmul.f32 v6, v23;
	v26 =	vld [tilespmem:s8+$0xFFFFFFF0]  }
0x253: {  	v38 =	vmul.f32 v8, v24;
	v12 =	vadd.f32 v12, v29;
	v29 =	vmul.f32 v7, v22;
	v16 =	vld [tilespmem:s8+$0x0];
	[tilespmem:s2+$0x30] =	vst v25  }
0x254: {  	v5 =	vmovc v19;
	v22 =	vld [tilespmem:s8+$0x10];
	v23 =	vmul.f32 $5.115000000e+02, v40;
	[tilespmem:s0+$0xFFFFFFC0] =	vst v10;
	v10 =	vadd.f32 v15, v28;
	v15 =	vadd.f32 v30, v32  }
0x255: {  	v6 =	vmovc v17;
	v25 =	vadd.f32 v37, v33;
	v27 =	vadd.f32 v29, v34;
	v19 =	vmul.f32 $5.115000000e+02, v36;
	v24 =	vld [tilespmem:s8+$0x20];
	[tilespmem:s0+$0xFFFFFFD0] =	vst v12  }
0x256: {  	v8 =	vmovc v18;
	v7 =	vmovc v13;
	v28 =	vadd.f32 v38, v35;
	v17 =	vld [tilespmem:s8+$0xFFFFFFC0];
	v12 =	vmul.f32 $5.115000000e+02, v31;
	v23 =	vadd.f32 $5.115000000e+02, v23;
	[tilespmem:s0+$0xFFFFFFE0] =	vst v10  }
0x257: {  	v13 =	vadd.f32 $5.115000000e+02, v19;
	v18 =	vmul.f32 $5.115000000e+02, v26;
	v10 =	vld.idx.msk [tilespmem:v21+s23+$0x0], $0xffff;
	[tilespmem:s0+$0xFFFFFFF0] =	vst v15  }
0x258: {  	v19 =	vadd.f32 $5.115000000e+02, v12;
	v16 =	vmul.f32 $5.115000000e+02, v16;
	v15 =	vmax.f32 v23, $0.0e+00;
	v12 =	vld.idx.msk [tilespmem:v20+s23+$0x0], $0xffff;
	[tilespmem:s0+$0x0] =	vst v25  }
0x259: {  	v18 =	vadd.f32 $5.115000000e+02, v18;
	v22 =	vmul.f32 $5.115000000e+02, v22;
	v25 =	vmin.f32 v15, $1.022999940e+03;
	v15 =	vld.idx.msk [tilespmem:v14+s23+$0x0], $0xffff;
	[tilespmem:s0+$0x10] =	vst v27  }
0x25a: {  	v26 =	vadd.f32 $5.115000000e+02, v16;
	v24 =	vmul.f32 $5.115000000e+02, v24;
	v23 =	vtrunc.f32 v25;
	v16 =	vld.idx.msk [tilespmem:v11+s23+$0x0], $0xffff;
	[tilespmem:s0+$0x20] =	vst v28;
	s0 =	smov.u32 s2  }
0x25b: {  	v17 =	vmul.f32 $5.115000000e+02, v17;
	v27 =	vadd.f32 $5.115000000e+02, v22;
	v33 =	vcvt.f32.s32 v23;
	v23 =	vld.idx.msk [tilespmem:v9+s23+$0x0], $0xffff  }
0x25c: {  	v13 =	vmax.f32 v13, $0.0e+00;
	v19 =	vmax.f32 v19, $0.0e+00;
	v28 =	vadd.f32 $5.115000000e+02, v24;
	v22 =	vld.idx.msk [tilespmem:v41+s23+$0x0], $0xffff  }
0x25d: {  	v18 =	vmax.f32 v18, $0.0e+00;
	v32 =	vmax.f32 v26, $0.0e+00;
	v17 =	vadd.f32 $5.115000000e+02, v17;
	v24 =	vld.idx.msk [tilespmem:v42+s23+$0x0], $0xffff  }
0x25e: {  	v26 =	vmin.f32 v13, $1.022999940e+03;
	v13 =	vmax.f32 v27, $0.0e+00;
	v34 =	vmax.f32 v28, $0.0e+00;
	v30 =	vld.idx.msk [tilespmem:v21+s22+$0x0], $0xffff  }
0x25f: {  	v27 =	vmin.f32 v19, $1.022999940e+03;
	v19 =	vmin.f32 v18, $1.022999940e+03;
	v17 =	vmax.f32 v17, $0.0e+00;
	v29 =	vld.idx.msk [tilespmem:v20+s22+$0x0], $0xffff  }
0x260: {  	v13 =	vmin.f32 v13, $1.022999940e+03;
	v31 =	vmin.f32 v17, $1.022999940e+03;
	v17 =	vmin.f32 v32, $1.022999940e+03;
	v28 =	vld.idx.msk [tilespmem:v14+s22+$0x0], $0xffff  }
0x261: {  	v20 =	vtrunc.f32 v26;
	v18 =	vmin.f32 v34, $1.022999940e+03;
	v14 =	vtrunc.f32 v31;
	v36 =	vld.idx.msk [tilespmem:v33+s23+$0x0], $0xffff  }
.Ltmp7:
0x262: {  	v35 =	vtrunc.f32 v19;
	v34 =	vtrunc.f32 v27;
	v32 =	vld.idx.msk [tilespmem:v11+s22+$0x0], $0xffff;
	(pc) =	sbr.rel @p0 .LBB2_16-.Ltmp7, $4  }
0x263: {  	v38 =	vtrunc.f32 v13;
	v40 =	vtrunc.f32 v17;
	v37 =	vld.idx.msk [tilespmem:v33+s22+$0x0], $0xffff  }
0x264: {  	v39 =	vtrunc.f32 v18;
	v21 =	vcvt.f32.s32 v14;
	v33 =	vld.idx.msk [tilespmem:v9+s22+$0x0], $0xffff  }
0x265: {  	v20 =	vcvt.f32.s32 v20;
	v14 =	vcvt.f32.s32 v34;
	v34 =	vld.idx.msk [tilespmem:v41+s22+$0x0], $0xffff  }
0x266: {  	s8 =	sadd.s32 $0x80, s8;
	v11 =	vcvt.f32.s32 v35;
	v9 =	vcvt.f32.s32 v40;
	v35 =	vld.idx.msk [tilespmem:v42+s22+$0x0], $0xffff  }
0x267: {  	_ =	sdelay $0x3  }
0x268: {  	v40 =	vld.idx.msk [tilespmem:v21+s23+$0x0], $0xffff  }
0x269: {  	v41 =	vld.idx.msk [tilespmem:v20+s23+$0x0], $0xffff  }
0x26a: {  	v25 =	vmul.f32 v25, v36;
	v49 =	vld.idx.msk [tilespmem:v14+s23+$0x0], $0xffff  }
0x26b: {  	v38 =	vcvt.f32.s32 v38;
	v3 =	vmul.f32 v3, v10;
	v54 =	vld.idx.msk [tilespmem:v21+s22+$0x0], $0xffff  }
0x26c: {  	v2 =	vmul.f32 v2, v12;
	v50 =	vld.idx.msk [tilespmem:v11+s23+$0x0], $0xffff;
	v25 =	vadd.f32 v25, v37  }
0x26d: {  	v39 =	vcvt.f32.s32 v39;
	s2 =	sadd.s32 $0x80, s2;
	v5 =	vmul.f32 v5, v16;
	v51 =	vld.idx.msk [tilespmem:v9+s23+$0x0], $0xffff;
	v3 =	vadd.f32 v3, v30  }
0x26e: {  	v4 =	vmul.f32 v4, v15;
	v55 =	vld.idx.msk [tilespmem:v11+s22+$0x0], $0xffff;
	v2 =	vadd.f32 v2, v29;
	[tilespmem:s2+$0x30] =	vst v25  }
0x26f: {  	v6 =	vmul.f32 v6, v23;
	v57 =	vld.idx.msk [tilespmem:v9+s22+$0x0], $0xffff;
	v5 =	vadd.f32 v5, v32;
	[tilespmem:s0+$0xFFFFFFC0] =	vst v3  }
0x270: {  	v7 =	vmul.f32 v7, v22;
	v3 =	vadd.f32 v4, v28;
	[tilespmem:s0+$0xFFFFFFD0] =	vst v2;
	v2 =	vld.idx.msk [tilespmem:v20+s22+$0x0], $0xffff  }
0x271: {  	v8 =	vmul.f32 v8, v24;
	v6 =	vadd.f32 v6, v33;
	[tilespmem:s0+$0xFFFFFFF0] =	vst v5;
	v52 =	vld.idx.msk [tilespmem:v38+s23+$0x0], $0xffff  }
0x272: {  	v7 =	vadd.f32 v7, v34;
	v56 =	vmul.f32 v31, v40;
	[tilespmem:s0+$0xFFFFFFE0] =	vst v3;
	v3 =	vld.idx.msk [tilespmem:v14+s22+$0x0], $0xffff  }
0x273: {  	v8 =	vadd.f32 v8, v35;
	[tilespmem:s0+$0x0] =	vst v6;
	v53 =	vld.idx.msk [tilespmem:v39+s23+$0x0], $0xffff;
	v10 =	vmul.f32 v19, v50  }
0x274: {  	v58 =	vmul.f32 v26, v41;
	[tilespmem:s0+$0x10] =	vst v7;
	v59 =	vld.idx.msk [tilespmem:v38+s22+$0x0], $0xffff;
	v4 =	vadd.f32 v56, v54  }
0x275: {  	v60 =	vmul.f32 v27, v49;
	[tilespmem:s0+$0x20] =	vst v8;
	v61 =	vld.idx.msk [tilespmem:v39+s22+$0x0], $0xffff;
	v5 =	vadd.f32 v10, v55  }
0x276: {  	v62 =	vmul.f32 v17, v51;
	v2 =	vadd.f32 v58, v2;
	[tilespmem:s2+$0xFFFFFFC0] =	vst v4  }
0x277: {  	[tilespmem:s2+$0xFFFFFFF0] =	vst v5;
	v3 =	vadd.f32 v60, v3;
	v63 =	vmul.f32 v13, v52  }
0x278: {  	v6 =	vadd.f32 v62, v57;
	[tilespmem:s2+$0xFFFFFFD0] =	vst v2;
	v2 =	vmul.f32 v18, v53  }
0x279: {  	[tilespmem:s2+$0xFFFFFFE0] =	vst v3;
	v3 =	vadd.f32 v63, v59  }
0x27a: {  	[tilespmem:s2+$0x0] =	vst v6;
	v2 =	vadd.f32 v2, v61  }
0x27b: {  	[tilespmem:s2+$0x10] =	vst v3  }
0x27c: {  	[tilespmem:s2+$0x20] =	vst v2  }
0x27d: {  	s0 =	rddreg [dreg:$0x9]  }
0x27e: {  	[hbm4b:s0+s5] =	stream.linear.scatter [tilespmem:s26], [sflag:$0x4], $0x4000, $0x38;
	[tilespmem:$0x10C00] =	vst v63  }
0x27f: {  	_ =	swait.ge [sflag:s28], $0x4000  }
0x280: {  	[sflag:s28] =	ssyncset.done $0x0  }
0x281: {  	[sflag:s28] =	ssyncadd.s32 $0xFFFFC000  }
0x282: {  	_ =	swait.ge [sflag:s29], $0x4000  }
0x283: {  	s30 =	sadd.s32 $0x1, s30;
	s31 =	rddreg [dreg:$0xa]  }
0x284: {  	p0 =	sne.s32 s30, s31  }
.Ltmp8:
0x285: {  	_ = 	snop;
	(pc) =	sbr.rel @p0 .LBB2_1-.Ltmp8, $3  }
0x286: {  	_ =	sdelay $0x1  }
0x287: {  	[sflag:s29] =	ssyncset.done $0x0  }
0x288: {  	[sflag:s29] =	ssyncadd.s32 $0xFFFFC000  }
0x289: {  	_ =	sfence.sel $0x180000  }
0x28a: {  	[bflag:$0x0] =	sbarrier.arrive $0xFFFF  }
0x28b: {  	_ =	strace $0x90000047  }
0x28c: {  	s0 =	stileid.u32;
	[bflag:$0x2] =	sbarrier.arrive $0xFFFF  }
0x28d: {  	p0 =	sne.s32 s0, $0x0;
	s0 =	rddreg [dreg:$0x3]  }
0x28e: {  	s0 =	sadd.s32 @!p0 $0x100000, s0  }
0x28f: {  	[sflag:s0] =	ssyncadd.tile.s32 @!p0 $0x1;
	_ =	shalt  }
.Lfunc_end2:
_tile_overlayer_lowered:
.L_overlay_start_2:
0x290: {  	(tag) =	ssettag $0x2  }
0x291: {  	s0 =	rddreg [dreg:$0x0];
	s2 =	stileid.u32  }
0x292: {  	s1 =	rddreg [dreg:$0x1];
	p0 =	sne.s32 s2, $0x0  }
0x293: {  	s3 =	rddreg [dreg:$0x2];
	[bflag:$0x3] =	sbarrier.arrive $0xFFFF;
	s2 =	simm.s32 @!p0 $0x1C05  }
0x294: {  	[timem:s3], [sflag:s2] =	dma.local @!p0 [hbm:s0], s1  }
0x295: {  	s0 =	simm.s32 @!p0 $0x5  }
0x296: {  	_ =	swait.ge @!p0 [sflag:s0], s1  }
0x297: {  	s1 =	ssub.s32 @!p0 $0x0, s1;
	[sflag:s0] =	ssyncset.done @!p0 $0x0  }
0x298: {  	[sflag:s0] =	ssyncadd.s32 @!p0 s1  }
0x299: {  	[bflag:$0x3] =	sbarrier.arrive $0xFFFF  }
0x29a: {  	_ =	shalt  }

</sc_bundles>
